<compile_context>
chip_gen: v7x
topology: tpu7x:2x2x1
jax: 0.10.2.dev20260603
libtpu: 0.0.44.dev20260713+nightly
codegen_flags: <defaults>
</compile_context>

<pallas_src>
import functools

import jax
import jax.numpy as jnp
from jax import lax
from jax.experimental import pallas as pl
from jax.experimental.pallas import tpu as pltpu
from jax.experimental.pallas import tpu_sc as plsc

_B, _P, _C = 32, 8732, 81
_RATIO = 3.0
_CH = 112
_NCH = 78
_PPAD = _CH * _NCH


def _gather_body(conf_ref, lab_ref, out_ref, lab_v, idx_v, rows_v, sem):
    wid = lax.axis_index("s") * 2 + lax.axis_index("c")
    pltpu.sync_copy(lab_ref.at[wid], lab_v)

    def ibody(j, carry):
        base = j * 16
        pvec = base + lax.iota(jnp.int32, 16)
        lab16 = lab_v[pl.ds(base, 16)]
        flat = (wid * _P + pvec) * _C + lab16
        flat = jnp.where(pvec < _P, flat, 0)
        idx_v[pl.ds(base, 16)] = flat
        return carry

    lax.fori_loop(0, _PPAD // 16, ibody, 0)
    copies = []
    for j in range(_NCH):
        copies.append(pltpu.async_copy(
            conf_ref.at[idx_v.at[pl.ds(j * _CH, _CH)]],
            rows_v.at[pl.ds(j * _CH, _CH)], sem))
    for c in copies:
        c.wait()
    pltpu.sync_copy(rows_v, out_ref.at[wid])


def _sc_gather(conf_flat, lab_pad):
    mesh = plsc.VectorSubcoreMesh(core_axis_name="c", subcore_axis_name="s")
    f = functools.partial(
        pl.kernel,
        mesh=mesh,
        out_type=jax.ShapeDtypeStruct((_B, _PPAD), jnp.float32),
        scratch_types=[
            pltpu.VMEM((_PPAD,), jnp.int32),
            pltpu.VMEM((_PPAD,), jnp.int32),
            pltpu.VMEM((_PPAD,), jnp.float32),
            pltpu.SemaphoreType.DMA,
        ],
    )(_gather_body)
    return f(conf_flat, lab_pad)


def _dense_body(conf_ref, r_ref, c0_ref):
    x = conf_ref[0]
    e = jnp.exp(x - x[:, 0:1])
    ones = jnp.ones((1, _C), jnp.float32)
    cls_iota = lax.broadcasted_iota(jnp.int32, (1, _C), 1)
    sel0 = (cls_iota == 0).astype(jnp.float32)
    r_ref[0] = lax.dot_general(ones, e, (((1,), (1,)), ((), ())),
                               preferred_element_type=jnp.float32)
    c0_ref[0] = lax.dot_general(sel0, x, (((1,), (1,)), ((), ())),
                                preferred_element_type=jnp.float32)


def _select_body(r_ref, c0_ref, g_ref, lab_ref, p4_ref, g4_ref, lab4_ref,
                 sl1_out, cls_out):
    r = r_ref[...]
    loss = jnp.log(r)
    q = c0_ref[...] - g_ref[...][:, :_P]
    lab = lab_ref[...]
    posm = lab > 0
    num_pos = jnp.sum(posm.astype(jnp.float32), axis=-1, keepdims=True)
    ce_pos = jnp.sum(jnp.where(posm, loss + q, 0.0), axis=-1,
                     keepdims=True)
    keys = jnp.where(posm, jnp.int32(-1),
                     lax.bitcast_convert_type(loss, jnp.int32))
    k_sel = jnp.where(num_pos > 0, _RATIO * num_pos, _RATIO)
    k_sel_i = k_sel.astype(jnp.int32)

    def bit_step(i, prefix):
        cand = prefix | lax.shift_left(jnp.int32(1), 30 - i)
        cnt = jnp.sum((keys >= cand).astype(jnp.int32), axis=-1,
                      keepdims=True)
        return jnp.where(cnt >= k_sel_i, cand, prefix)

    t = lax.fori_loop(0, 31, bit_step, jnp.zeros((_B, 1), jnp.int32))
    gt = keys > t
    cnt_gt = jnp.sum(gt.astype(jnp.float32), axis=-1, keepdims=True)
    sum_gt = jnp.sum(jnp.where(gt, loss, 0.0), axis=-1, keepdims=True)
    t_f = lax.bitcast_convert_type(t, jnp.float32)
    cls = ce_pos + sum_gt + (k_sel - cnt_gt) * t_f

    d = p4_ref[...] - g4_ref[...]
    ad = jnp.abs(d)
    sl1 = jnp.where(ad < 1.0, 0.5 * d * d, ad - 0.5)
    sl1_s = jnp.sum(jnp.where(lab4_ref[...] > 0, sl1, 0.0), axis=-1,
                    keepdims=True)

    total_pos = jnp.sum(num_pos)
    total_neg = _RATIO * jnp.sum((num_pos == 0).astype(jnp.float32))
    sl1_out[0] = jnp.sum(sl1_s) / jnp.maximum(total_pos, 1.0)
    cls_out[0] = jnp.sum(cls) / jnp.maximum(total_pos + total_neg, 1.0)


@jax.jit
def kernel(confidence, predicted_locations, labels, gt_locations):
    labels = labels.astype(jnp.int32)
    lab_pad = jnp.pad(labels, ((0, 0), (0, _PPAD - _P)))
    g = _sc_gather(confidence.reshape(_B * _P * _C), lab_pad)

    return (g[0,0], g[0,1])
    r, c0 = pl.pallas_call(
        _dense_body,
        grid=(_B,),
        in_specs=[pl.BlockSpec((1, _P, _C), lambda b: (b, 0, 0))],
        out_specs=[
            pl.BlockSpec((1, 1, _P), lambda b: (b, 0, 0)),
            pl.BlockSpec((1, 1, _P), lambda b: (b, 0, 0)),
        ],
        out_shape=[
            jax.ShapeDtypeStruct((_B, 1, _P), jnp.float32),
            jax.ShapeDtypeStruct((_B, 1, _P), jnp.float32),
        ],
    )(confidence)

    lab4 = jnp.repeat(labels, 4, axis=1)
    p4 = predicted_locations.reshape(_B, 4 * _P)
    g4 = gt_locations.reshape(_B, 4 * _P)
    sl1_loss, cls_loss = pl.pallas_call(
        _select_body,
        in_specs=[
            pl.BlockSpec((_B, _P), lambda: (0, 0)),
            pl.BlockSpec((_B, _P), lambda: (0, 0)),
            pl.BlockSpec((_B, _PPAD), lambda: (0, 0)),
            pl.BlockSpec((_B, _P), lambda: (0, 0)),
            pl.BlockSpec((_B, 4 * _P), lambda: (0, 0)),
            pl.BlockSpec((_B, 4 * _P), lambda: (0, 0)),
            pl.BlockSpec((_B, 4 * _P), lambda: (0, 0)),
        ],
        out_specs=[
            pl.BlockSpec(memory_space=pltpu.SMEM),
            pl.BlockSpec(memory_space=pltpu.SMEM),
        ],
        out_shape=[
            jax.ShapeDtypeStruct((1,), jnp.float32),
            jax.ShapeDtypeStruct((1,), jnp.float32),
        ],
    )(r.reshape(_B, _P), c0.reshape(_B, _P), g, labels, p4, g4, lab4)
    return (sl1_loss.reshape(()), cls_loss.reshape(()))

# --- scband reference (transcript-rebuilt; emitter-appended) ---
"""Pipeline reference for scband-multi-box-loss-with-neg-3100966388098 (READ-ONLY COPY).

The authoritative reference and input builder live on the scoring server;
editing this copy changes nothing except your own understanding.
"""

import jax, jax.numpy as jnp
import numpy as np

NEG_POS_RATIO = 3

def setup_inputs(seed: int = 0) -> dict:
    key = jax.random.key(seed)
    k1, k2, k3, k4 = jax.random.split(key, 4)
    B, P, C = 32, 8732, 81
    confidence = jax.random.normal(k1, (B, P, C), dtype=jnp.float32)
    predicted_locations = jax.random.normal(k2, (B, P, 4), dtype=jnp.float32)
    labels = jax.random.randint(k3, (B, P), 0, C)
    gt_locations = jax.random.normal(k4, (B, P, 4), dtype=jnp.float32)
    return {"confidence": confidence, "predicted_locations": predicted_locations,
            "labels": labels, "gt_locations": gt_locations}


def _per_sample(conf, locs, labels, gt_locs):
    # conf: [P, C], locs: [P, 4], labels: [P], gt_locs: [P, 4]
    logp = jax.nn.log_softmax(conf, axis=1)
    loss = -logp[:, 0]  # -log_softmax(...)[:, 0]
    ce = -jnp.take_along_axis(logp, labels[:, None], axis=1)[:, 0]
    pos_mask = labels > 0
    num_pos = jnp.sum(pos_mask)
    has_pos = num_pos > 0
    # positive branch: hard negative mining (box_utils.hard_negative_mining)
    loss_hn = jnp.where(pos_mask, -jnp.inf, loss)
    idx = jnp.argsort(-loss_hn)  # descending sort
    orders = jnp.argsort(idx)
    neg_mask = orders < num_pos * NEG_POS_RATIO
    mask_pos_branch = pos_mask | neg_mask
    # all-negative branch: orders of descending-sorted loss < neg_pos_ratio
    idx0 = jnp.argsort(-loss)
    orders0 = jnp.argsort(idx0)
    mask0 = orders0 < NEG_POS_RATIO
    cls = jnp.where(has_pos,
                    jnp.sum(jnp.where(mask_pos_branch, ce, 0.0)),
                    jnp.sum(jnp.where(mask0, ce, 0.0)))
    # smooth L1 over positive priors (zero automatically if no positives)
    d = locs - gt_locs
    ad = jnp.abs(d)
    sl1 = jnp.where(ad < 1.0, 0.5 * d * d, ad - 0.5)
    sl1_sum = jnp.sum(jnp.where(pos_mask[:, None], sl1, 0.0))
    n_pos = jnp.where(has_pos, num_pos.astype(jnp.float32), 0.0)
    n_neg = jnp.where(has_pos, 0.0, 3.0)  # faithful: += 3.0 in all-negative branch
    return sl1_sum, cls, n_pos, n_neg


def reference(confidence, predicted_locations, labels, gt_locations):
    sl1, cls, n_pos, n_neg = jax.vmap(_per_sample)(confidence, predicted_locations, labels, gt_locations)
    total_pos = jnp.sum(n_pos)
    total_neg = jnp.sum(n_neg)
    smooth_l1_loss = jnp.sum(sl1) / jnp.maximum(total_pos, 1.0)
    classification_loss = jnp.sum(cls) / jnp.maximum(total_neg + total_pos, 1.0)
    return (smooth_l1_loss, classification_loss)

if __name__ == "__main__":
    import jax
    _d = setup_inputs()
    print(jax.jit(kernel)(*tuple(_d.values())))

</pallas_src>

<mosaic_0001>
#map = affine_map<(d0, d1) -> (0)>
#map1 = affine_map<(d0, d1) -> (0, 0)>
module attributes {stable_mosaic.version = 14 : i64} {
  func.func @_gather_body(%arg0: i32, %arg1: i32, %arg2: memref<22633344xf32, #tpu.memory_space<hbm>>, %arg3: memref<32x8736xi32, #tpu.memory_space<hbm>>, %arg4: memref<32x8736xf32, #tpu.memory_space<hbm>>, %arg5: memref<8736xi32, #tpu.memory_space<vmem>>, %arg6: memref<8736xi32, #tpu.memory_space<vmem>>, %arg7: memref<8736xf32, #tpu.memory_space<vmem>>, %arg8: memref<!tpu.dma_semaphore, #tpu.memory_space<semaphore_mem>>) attributes {dimension_semantics = [#tpu.dimension_semantics<core_parallel>, #tpu.dimension_semantics<subcore_parallel>], iteration_bounds = array<i64: 2, 16>, scalar_prefetch = 0 : i64, scratch_operands = 4 : i64, tpu.core_type = #tpu.core_type<sc_vector_subcore>, window_params = [{transform_indices = #map}, {transform_indices = #map1}, {transform_indices = #map1}]} {
    %mul3A = arith.constant 2 : i32
    %mul3A_0 = arith.muli %arg1, %mul3A : i32
    %add3A = arith.addi %mul3A_0, %arg0 : i32
    "tpu.region"() ({
      %run_scoped3A = tpu.sem_alloc : memref<!tpu.dma_semaphore, #tpu.memory_space<semaphore_mem>>
      %dma_start3A_940 = arith.constant 0 : i32
      %dma_start3A_941 = tpu.memref_slice %arg3[%add3A, %dma_start3A_940] : memref<32x8736xi32, #tpu.memory_space<hbm>> -> memref<1x8736xi32, #tpu.memory_space<hbm>>
      %dma_start3A_942 = tpu.memref_squeeze %dma_start3A_941 : memref<1x8736xi32, #tpu.memory_space<hbm>> -> memref<8736xi32, #tpu.memory_space<hbm>>
      %dma_start3A_943 = arith.constant 0 : i32
      %dma_start3A_944 = tpu.memref_slice %arg3[%add3A, %dma_start3A_943] : memref<32x8736xi32, #tpu.memory_space<hbm>> -> memref<1x8736xi32, #tpu.memory_space<hbm>>
      %dma_start3A_945 = tpu.memref_squeeze %dma_start3A_944 : memref<1x8736xi32, #tpu.memory_space<hbm>> -> memref<8736xi32, #tpu.memory_space<hbm>>
      tpu.enqueue_dma source(%dma_start3A_945 : memref<8736xi32, #tpu.memory_space<hbm>>) target(%arg5 : memref<8736xi32, #tpu.memory_space<vmem>>) target_semaphore(%run_scoped3A : memref<!tpu.dma_semaphore, #tpu.memory_space<semaphore_mem>>)
      %dma_wait3A_946 = arith.constant 0 : i32
      %dma_wait3A_947 = tpu.memref_slice %arg3[%add3A, %dma_wait3A_946] : memref<32x8736xi32, #tpu.memory_space<hbm>> -> memref<1x8736xi32, #tpu.memory_space<hbm>>
      %dma_wait3A_948 = tpu.memref_squeeze %dma_wait3A_947 : memref<1x8736xi32, #tpu.memory_space<hbm>> -> memref<8736xi32, #tpu.memory_space<hbm>>
      %dma_wait3A_949 = arith.constant 0 : i32
      %dma_wait3A_950 = tpu.memref_slice %arg3[%add3A, %dma_wait3A_949] : memref<32x8736xi32, #tpu.memory_space<hbm>> -> memref<1x8736xi32, #tpu.memory_space<hbm>>
      %dma_wait3A_951 = tpu.memref_squeeze %dma_wait3A_950 : memref<1x8736xi32, #tpu.memory_space<hbm>> -> memref<8736xi32, #tpu.memory_space<hbm>>
      tpu.wait_dma2 semaphore(%run_scoped3A : memref<!tpu.dma_semaphore, #tpu.memory_space<semaphore_mem>>) src(%dma_wait3A_951 : memref<8736xi32, #tpu.memory_space<hbm>>) dst(%arg5 : memref<8736xi32, #tpu.memory_space<vmem>>)
      tpu.yield
    }) : () -> ()
    %scan3A = arith.constant 0 : i32
    %scan3A_1 = arith.constant 0 : i32
    %scan3A_2 = arith.constant 546 : i32
    %scan3A_3 = arith.addi %scan3A_1, %scan3A_2 : i32
    %scan3A_4 = arith.constant 1 : i32
    scf.for %scan3A_940 = %scan3A_1 to %scan3A_3 step %scan3A_4  : i32 {
      %mul3A_941 = arith.constant 16 : i32
      %mul3A_942 = arith.muli %scan3A_940, %mul3A_941 : i32
      %iota3A = tpu.iota {dimensions = array<i32: 0>} : vector<16xi32>
      %add3A_943 = vector.broadcast %mul3A_942 : i32 to vector<16xi32>
      %add3A_944 = arith.addi %add3A_943, %iota3A : vector<16xi32>
      %get3A = arith.index_cast %mul3A_942 : i32 to index
      %get3A_945 = tpu.vector_load %arg5[%get3A] {strides = array<i32>} : memref<8736xi32, #tpu.memory_space<vmem>>, vector<16xi32>,
      %get3A_946 = vector.shape_cast %get3A_945 : vector<16xi32> to vector<16xi32>
      %mul3A_947 = arith.constant 8732 : i32
      %mul3A_948 = arith.muli %add3A, %mul3A_947 : i32
      %add3A_949 = vector.broadcast %mul3A_948 : i32 to vector<16xi32>
      %add3A_950 = arith.addi %add3A_949, %add3A_944 : vector<16xi32>
      %mul3A_951 = arith.constant 81 : i32
      %mul3A_952 = vector.broadcast %mul3A_951 : i32 to vector<16xi32>
      %mul3A_953 = arith.muli %add3A_950, %mul3A_952 : vector<16xi32>
      %add3A_954 = arith.addi %mul3A_953, %get3A_946 : vector<16xi32>
      %lt3A = arith.constant 8732 : i32
      %lt3A_955 = vector.broadcast %lt3A : i32 to vector<16xi32>
      %lt3A_956 = arith.cmpi slt, %add3A_944, %lt3A_955 : vector<16xi32>
      %jit3A = arith.constant 0 : i32
      %broadcast_in_dim3A = vector.broadcast %jit3A : i32 to vector<16xi32>
      %select_n3A = arith.select %lt3A_956, %add3A_954, %broadcast_in_dim3A : vector<16xi1>, vector<16xi32>
      %swap3A = arith.index_cast %mul3A_942 : i32 to index
      %swap3A_957 = tpu.vector_load %arg6[%swap3A] {strides = array<i32>} : memref<8736xi32, #tpu.memory_space<vmem>>, vector<16xi32>,
      %swap3A_958 = vector.shape_cast %swap3A_957 : vector<16xi32> to vector<16xi32>
      %swap3A_959 = vector.shape_cast %select_n3A : vector<16xi32> to vector<16xi32>
      tpu.vector_store %arg6[%swap3A], %swap3A_959 {strides = array<i32>} : memref<8736xi32, #tpu.memory_space<vmem>>, vector<16xi32>,
    }
    %scan3A_5 = arith.constant 546 : i32
    %dma_start3A = arith.constant 0 : i32
    %dma_start3A_6 = tpu.memref_slice %arg7[%dma_start3A] : memref<8736xf32, #tpu.memory_space<vmem>> -> memref<112xf32, #tpu.memory_space<vmem>>
    %dma_start3A_7 = arith.constant 0 : i32
    %dma_start3A_8 = tpu.memref_slice %arg6[%dma_start3A_7] : memref<8736xi32, #tpu.memory_space<vmem>> -> memref<112xi32, #tpu.memory_space<vmem>>
    %dma_start3A_9 = arith.constant 0 : i32
    %dma_start3A_10 = tpu.memref_slice %arg2[%dma_start3A_9] : memref<22633344xf32, #tpu.memory_space<hbm>> -> memref<22633344xf32, #tpu.memory_space<hbm>>
    tpu.enqueue_indirect_dma source(%dma_start3A_10 : memref<22633344xf32, #tpu.memory_space<hbm>>) target(%dma_start3A_6 : memref<112xf32, #tpu.memory_space<vmem>>) offsets(%dma_start3A_8 : memref<112xi32, #tpu.memory_space<vmem>>) semaphore(%arg8 : memref<!tpu.dma_semaphore, #tpu.memory_space<semaphore_mem>>)
    %dma_start3A_11 = arith.constant 112 : i32
    %dma_start3A_12 = tpu.memref_slice %arg7[%dma_start3A_11] : memref<8736xf32, #tpu.memory_space<vmem>> -> memref<112xf32, #tpu.memory_space<vmem>>
    %dma_start3A_13 = arith.constant 112 : i32
    %dma_start3A_14 = tpu.memref_slice %arg6[%dma_start3A_13] : memref<8736xi32, #tpu.memory_space<vmem>> -> memref<112xi32, #tpu.memory_space<vmem>>
    %dma_start3A_15 = arith.constant 0 : i32
    %dma_start3A_16 = tpu.memref_slice %arg2[%dma_start3A_15] : memref<22633344xf32, #tpu.memory_space<hbm>> -> memref<22633344xf32, #tpu.memory_space<hbm>>
    tpu.enqueue_indirect_dma source(%dma_start3A_16 : memref<22633344xf32, #tpu.memory_space<hbm>>) target(%dma_start3A_12 : memref<112xf32, #tpu.memory_space<vmem>>) offsets(%dma_start3A_14 : memref<112xi32, #tpu.memory_space<vmem>>) semaphore(%arg8 : memref<!tpu.dma_semaphore, #tpu.memory_space<semaphore_mem>>)
    %dma_start3A_17 = arith.constant 224 : i32
    %dma_start3A_18 = tpu.memref_slice %arg7[%dma_start3A_17] : memref<8736xf32, #tpu.memory_space<vmem>> -> memref<112xf32, #tpu.memory_space<vmem>>
    %dma_start3A_19 = arith.constant 224 : i32
    %dma_start3A_20 = tpu.memref_slice %arg6[%dma_start3A_19] : memref<8736xi32, #tpu.memory_space<vmem>> -> memref<112xi32, #tpu.memory_space<vmem>>
    %dma_start3A_21 = arith.constant 0 : i32
    %dma_start3A_22 = tpu.memref_slice %arg2[%dma_start3A_21] : memref<22633344xf32, #tpu.memory_space<hbm>> -> memref<22633344xf32, #tpu.memory_space<hbm>>
    tpu.enqueue_indirect_dma source(%dma_start3A_22 : memref<22633344xf32, #tpu.memory_space<hbm>>) target(%dma_start3A_18 : memref<112xf32, #tpu.memory_space<vmem>>) offsets(%dma_start3A_20 : memref<112xi32, #tpu.memory_space<vmem>>) semaphore(%arg8 : memref<!tpu.dma_semaphore, #tpu.memory_space<semaphore_mem>>)
    %dma_start3A_23 = arith.constant 336 : i32
    %dma_start3A_24 = tpu.memref_slice %arg7[%dma_start3A_23] : memref<8736xf32, #tpu.memory_space<vmem>> -> memref<112xf32, #tpu.memory_space<vmem>>
    %dma_start3A_25 = arith.constant 336 : i32
    %dma_start3A_26 = tpu.memref_slice %arg6[%dma_start3A_25] : memref<8736xi32, #tpu.memory_space<vmem>> -> memref<112xi32, #tpu.memory_space<vmem>>
    %dma_start3A_27 = arith.constant 0 : i32
    %dma_start3A_28 = tpu.memref_slice %arg2[%dma_start3A_27] : memref<22633344xf32, #tpu.memory_space<hbm>> -> memref<22633344xf32, #tpu.memory_space<hbm>>
    tpu.enqueue_indirect_dma source(%dma_start3A_28 : memref<22633344xf32, #tpu.memory_space<hbm>>) target(%dma_start3A_24 : memref<112xf32, #tpu.memory_space<vmem>>) offsets(%dma_start3A_26 : memref<112xi32, #tpu.memory_space<vmem>>) semaphore(%arg8 : memref<!tpu.dma_semaphore, #tpu.memory_space<semaphore_mem>>)
    %dma_start3A_29 = arith.constant 448 : i32
    %dma_start3A_30 = tpu.memref_slice %arg7[%dma_start3A_29] : memref<8736xf32, #tpu.memory_space<vmem>> -> memref<112xf32, #tpu.memory_space<vmem>>
    %dma_start3A_31 = arith.constant 448 : i32
    %dma_start3A_32 = tpu.memref_slice %arg6[%dma_start3A_31] : memref<8736xi32, #tpu.memory_space<vmem>> -> memref<112xi32, #tpu.memory_space<vmem>>
    %dma_start3A_33 = arith.constant 0 : i32
    %dma_start3A_34 = tpu.memref_slice %arg2[%dma_start3A_33] : memref<22633344xf32, #tpu.memory_space<hbm>> -> memref<22633344xf32, #tpu.memory_space<hbm>>
    tpu.enqueue_indirect_dma source(%dma_start3A_34 : memref<22633344xf32, #tpu.memory_space<hbm>>) target(%dma_start3A_30 : memref<112xf32, #tpu.memory_space<vmem>>) offsets(%dma_start3A_32 : memref<112xi32, #tpu.memory_space<vmem>>) semaphore(%arg8 : memref<!tpu.dma_semaphore, #tpu.memory_space<semaphore_mem>>)
    %dma_start3A_35 = arith.constant 560 : i32
    %dma_start3A_36 = tpu.memref_slice %arg7[%dma_start3A_35] : memref<8736xf32, #tpu.memory_space<vmem>> -> memref<112xf32, #tpu.memory_space<vmem>>
    %dma_start3A_37 = arith.constant 560 : i32
    %dma_start3A_38 = tpu.memref_slice %arg6[%dma_start3A_37] : memref<8736xi32, #tpu.memory_space<vmem>> -> memref<112xi32, #tpu.memory_space<vmem>>
    %dma_start3A_39 = arith.constant 0 : i32
    %dma_start3A_40 = tpu.memref_slice %arg2[%dma_start3A_39] : memref<22633344xf32, #tpu.memory_space<hbm>> -> memref<22633344xf32, #tpu.memory_space<hbm>>
    tpu.enqueue_indirect_dma source(%dma_start3A_40 : memref<22633344xf32, #tpu.memory_space<hbm>>) target(%dma_start3A_36 : memref<112xf32, #tpu.memory_space<vmem>>) offsets(%dma_start3A_38 : memref<112xi32, #tpu.memory_space<vmem>>) semaphore(%arg8 : memref<!tpu.dma_semaphore, #tpu.memory_space<semaphore_mem>>)
    %dma_start3A_41 = arith.constant 672 : i32
    %dma_start3A_42 = tpu.memref_slice %arg7[%dma_start3A_41] : memref<8736xf32, #tpu.memory_space<vmem>> -> memref<112xf32, #tpu.memory_space<vmem>>
    %dma_start3A_43 = arith.constant 672 : i32
    %dma_start3A_44 = tpu.memref_slice %arg6[%dma_start3A_43] : memref<8736xi32, #tpu.memory_space<vmem>> -> memref<112xi32, #tpu.memory_space<vmem>>
    %dma_start3A_45 = arith.constant 0 : i32
    %dma_start3A_46 = tpu.memref_slice %arg2[%dma_start3A_45] : memref<22633344xf32, #tpu.memory_space<hbm>> -> memref<22633344xf32, #tpu.memory_space<hbm>>
    tpu.enqueue_indirect_dma source(%dma_start3A_46 : memref<22633344xf32, #tpu.memory_space<hbm>>) target(%dma_start3A_42 : memref<112xf32, #tpu.memory_space<vmem>>) offsets(%dma_start3A_44 : memref<112xi32, #tpu.memory_space<vmem>>) semaphore(%arg8 : memref<!tpu.dma_semaphore, #tpu.memory_space<semaphore_mem>>)
    %dma_start3A_47 = arith.constant 784 : i32
    %dma_start3A_48 = tpu.memref_slice %arg7[%dma_start3A_47] : memref<8736xf32, #tpu.memory_space<vmem>> -> memref<112xf32, #tpu.memory_space<vmem>>
    %dma_start3A_49 = arith.constant 784 : i32
    %dma_start3A_50 = tpu.memref_slice %arg6[%dma_start3A_49] : memref<8736xi32, #tpu.memory_space<vmem>> -> memref<112xi32, #tpu.memory_space<vmem>>
    %dma_start3A_51 = arith.constant 0 : i32
    %dma_start3A_52 = tpu.memref_slice %arg2[%dma_start3A_51] : memref<22633344xf32, #tpu.memory_space<hbm>> -> memref<22633344xf32, #tpu.memory_space<hbm>>
    tpu.enqueue_indirect_dma source(%dma_start3A_52 : memref<22633344xf32, #tpu.memory_space<hbm>>) target(%dma_start3A_48 : memref<112xf32, #tpu.memory_space<vmem>>) offsets(%dma_start3A_50 : memref<112xi32, #tpu.memory_space<vmem>>) semaphore(%arg8 : memref<!tpu.dma_semaphore, #tpu.memory_space<semaphore_mem>>)
    %dma_start3A_53 = arith.constant 896 : i32
    %dma_start3A_54 = tpu.memref_slice %arg7[%dma_start3A_53] : memref<8736xf32, #tpu.memory_space<vmem>> -> memref<112xf32, #tpu.memory_space<vmem>>
    %dma_start3A_55 = arith.constant 896 : i32
    %dma_start3A_56 = tpu.memref_slice %arg6[%dma_start3A_55] : memref<8736xi32, #tpu.memory_space<vmem>> -> memref<112xi32, #tpu.memory_space<vmem>>
    %dma_start3A_57 = arith.constant 0 : i32
    %dma_start3A_58 = tpu.memref_slice %arg2[%dma_start3A_57] : memref<22633344xf32, #tpu.memory_space<hbm>> -> memref<22633344xf32, #tpu.memory_space<hbm>>
    tpu.enqueue_indirect_dma source(%dma_start3A_58 : memref<22633344xf32, #tpu.memory_space<hbm>>) target(%dma_start3A_54 : memref<112xf32, #tpu.memory_space<vmem>>) offsets(%dma_start3A_56 : memref<112xi32, #tpu.memory_space<vmem>>) semaphore(%arg8 : memref<!tpu.dma_semaphore, #tpu.memory_space<semaphore_mem>>)
    %dma_start3A_59 = arith.constant 1008 : i32
    %dma_start3A_60 = tpu.memref_slice %arg7[%dma_start3A_59] : memref<8736xf32, #tpu.memory_space<vmem>> -> memref<112xf32, #tpu.memory_space<vmem>>
    %dma_start3A_61 = arith.constant 1008 : i32
    %dma_start3A_62 = tpu.memref_slice %arg6[%dma_start3A_61] : memref<8736xi32, #tpu.memory_space<vmem>> -> memref<112xi32, #tpu.memory_space<vmem>>
    %dma_start3A_63 = arith.constant 0 : i32
    %dma_start3A_64 = tpu.memref_slice %arg2[%dma_start3A_63] : memref<22633344xf32, #tpu.memory_space<hbm>> -> memref<22633344xf32, #tpu.memory_space<hbm>>
    tpu.enqueue_indirect_dma source(%dma_start3A_64 : memref<22633344xf32, #tpu.memory_space<hbm>>) target(%dma_start3A_60 : memref<112xf32, #tpu.memory_space<vmem>>) offsets(%dma_start3A_62 : memref<112xi32, #tpu.memory_space<vmem>>) semaphore(%arg8 : memref<!tpu.dma_semaphore, #tpu.memory_space<semaphore_mem>>)
    %dma_start3A_65 = arith.constant 1120 : i32
    %dma_start3A_66 = tpu.memref_slice %arg7[%dma_start3A_65] : memref<8736xf32, #tpu.memory_space<vmem>> -> memref<112xf32, #tpu.memory_space<vmem>>
    %dma_start3A_67 = arith.constant 1120 : i32
    %dma_start3A_68 = tpu.memref_slice %arg6[%dma_start3A_67] : memref<8736xi32, #tpu.memory_space<vmem>> -> memref<112xi32, #tpu.memory_space<vmem>>
    %dma_start3A_69 = arith.constant 0 : i32
    %dma_start3A_70 = tpu.memref_slice %arg2[%dma_start3A_69] : memref<22633344xf32, #tpu.memory_space<hbm>> -> memref<22633344xf32, #tpu.memory_space<hbm>>
    tpu.enqueue_indirect_dma source(%dma_start3A_70 : memref<22633344xf32, #tpu.memory_space<hbm>>) target(%dma_start3A_66 : memref<112xf32, #tpu.memory_space<vmem>>) offsets(%dma_start3A_68 : memref<112xi32, #tpu.memory_space<vmem>>) semaphore(%arg8 : memref<!tpu.dma_semaphore, #tpu.memory_space<semaphore_mem>>)
    %dma_start3A_71 = arith.constant 1232 : i32
    %dma_start3A_72 = tpu.memref_slice %arg7[%dma_start3A_71] : memref<8736xf32, #tpu.memory_space<vmem>> -> memref<112xf32, #tpu.memory_space<vmem>>
    %dma_start3A_73 = arith.constant 1232 : i32
    %dma_start3A_74 = tpu.memref_slice %arg6[%dma_start3A_73] : memref<8736xi32, #tpu.memory_space<vmem>> -> memref<112xi32, #tpu.memory_space<vmem>>
    %dma_start3A_75 = arith.constant 0 : i32
    %dma_start3A_76 = tpu.memref_slice %arg2[%dma_start3A_75] : memref<22633344xf32, #tpu.memory_space<hbm>> -> memref<22633344xf32, #tpu.memory_space<hbm>>
    tpu.enqueue_indirect_dma source(%dma_start3A_76 : memref<22633344xf32, #tpu.memory_space<hbm>>) target(%dma_start3A_72 : memref<112xf32, #tpu.memory_space<vmem>>) offsets(%dma_start3A_74 : memref<112xi32, #tpu.memory_space<vmem>>) semaphore(%arg8 : memref<!tpu.dma_semaphore, #tpu.memory_space<semaphore_mem>>)
    %dma_start3A_77 = arith.constant 1344 : i32
    %dma_start3A_78 = tpu.memref_slice %arg7[%dma_start3A_77] : memref<8736xf32, #tpu.memory_space<vmem>> -> memref<112xf32, #tpu.memory_space<vmem>>
    %dma_start3A_79 = arith.constant 1344 : i32
    %dma_start3A_80 = tpu.memref_slice %arg6[%dma_start3A_79] : memref<8736xi32, #tpu.memory_space<vmem>> -> memref<112xi32, #tpu.memory_space<vmem>>
    %dma_start3A_81 = arith.constant 0 : i32
    %dma_start3A_82 = tpu.memref_slice %arg2[%dma_start3A_81] : memref<22633344xf32, #tpu.memory_space<hbm>> -> memref<22633344xf32, #tpu.memory_space<hbm>>
    tpu.enqueue_indirect_dma source(%dma_start3A_82 : memref<22633344xf32, #tpu.memory_space<hbm>>) target(%dma_start3A_78 : memref<112xf32, #tpu.memory_space<vmem>>) offsets(%dma_start3A_80 : memref<112xi32, #tpu.memory_space<vmem>>) semaphore(%arg8 : memref<!tpu.dma_semaphore, #tpu.memory_space<semaphore_mem>>)
    %dma_start3A_83 = arith.constant 1456 : i32
    %dma_start3A_84 = tpu.memref_slice %arg7[%dma_start3A_83] : memref<8736xf32, #tpu.memory_space<vmem>> -> memref<112xf32, #tpu.memory_space<vmem>>
    %dma_start3A_85 = arith.constant 1456 : i32
    %dma_start3A_86 = tpu.memref_slice %arg6[%dma_start3A_85] : memref<8736xi32, #tpu.memory_space<vmem>> -> memref<112xi32, #tpu.memory_space<vmem>>
    %dma_start3A_87 = arith.constant 0 : i32
    %dma_start3A_88 = tpu.memref_slice %arg2[%dma_start3A_87] : memref<22633344xf32, #tpu.memory_space<hbm>> -> memref<22633344xf32, #tpu.memory_space<hbm>>
    tpu.enqueue_indirect_dma source(%dma_start3A_88 : memref<22633344xf32, #tpu.memory_space<hbm>>) target(%dma_start3A_84 : memref<112xf32, #tpu.memory_space<vmem>>) offsets(%dma_start3A_86 : memref<112xi32, #tpu.memory_space<vmem>>) semaphore(%arg8 : memref<!tpu.dma_semaphore, #tpu.memory_space<semaphore_mem>>)
    %dma_start3A_89 = arith.constant 1568 : i32
    %dma_start3A_90 = tpu.memref_slice %arg7[%dma_start3A_89] : memref<8736xf32, #tpu.memory_space<vmem>> -> memref<112xf32, #tpu.memory_space<vmem>>
    %dma_start3A_91 = arith.constant 1568 : i32
    %dma_start3A_92 = tpu.memref_slice %arg6[%dma_start3A_91] : memref<8736xi32, #tpu.memory_space<vmem>> -> memref<112xi32, #tpu.memory_space<vmem>>
    %dma_start3A_93 = arith.constant 0 : i32
    %dma_start3A_94 = tpu.memref_slice %arg2[%dma_start3A_93] : memref<22633344xf32, #tpu.memory_space<hbm>> -> memref<22633344xf32, #tpu.memory_space<hbm>>
    tpu.enqueue_indirect_dma source(%dma_start3A_94 : memref<22633344xf32, #tpu.memory_space<hbm>>) target(%dma_start3A_90 : memref<112xf32, #tpu.memory_space<vmem>>) offsets(%dma_start3A_92 : memref<112xi32, #tpu.memory_space<vmem>>) semaphore(%arg8 : memref<!tpu.dma_semaphore, #tpu.memory_space<semaphore_mem>>)
    %dma_start3A_95 = arith.constant 1680 : i32
    %dma_start3A_96 = tpu.memref_slice %arg7[%dma_start3A_95] : memref<8736xf32, #tpu.memory_space<vmem>> -> memref<112xf32, #tpu.memory_space<vmem>>
    %dma_start3A_97 = arith.constant 1680 : i32
    %dma_start3A_98 = tpu.memref_slice %arg6[%dma_start3A_97] : memref<8736xi32, #tpu.memory_space<vmem>> -> memref<112xi32, #tpu.memory_space<vmem>>
    %dma_start3A_99 = arith.constant 0 : i32
    %dma_start3A_100 = tpu.memref_slice %arg2[%dma_start3A_99] : memref<22633344xf32, #tpu.memory_space<hbm>> -> memref<22633344xf32, #tpu.memory_space<hbm>>
    tpu.enqueue_indirect_dma source(%dma_start3A_100 : memref<22633344xf32, #tpu.memory_space<hbm>>) target(%dma_start3A_96 : memref<112xf32, #tpu.memory_space<vmem>>) offsets(%dma_start3A_98 : memref<112xi32, #tpu.memory_space<vmem>>) semaphore(%arg8 : memref<!tpu.dma_semaphore, #tpu.memory_space<semaphore_mem>>)
    %dma_start3A_101 = arith.constant 1792 : i32
    %dma_start3A_102 = tpu.memref_slice %arg7[%dma_start3A_101] : memref<8736xf32, #tpu.memory_space<vmem>> -> memref<112xf32, #tpu.memory_space<vmem>>
    %dma_start3A_103 = arith.constant 1792 : i32
    %dma_start3A_104 = tpu.memref_slice %arg6[%dma_start3A_103] : memref<8736xi32, #tpu.memory_space<vmem>> -> memref<112xi32, #tpu.memory_space<vmem>>
    %dma_start3A_105 = arith.constant 0 : i32
    %dma_start3A_106 = tpu.memref_slice %arg2[%dma_start3A_105] : memref<22633344xf32, #tpu.memory_space<hbm>> -> memref<22633344xf32, #tpu.memory_space<hbm>>
    tpu.enqueue_indirect_dma source(%dma_start3A_106 : memref<22633344xf32, #tpu.memory_space<hbm>>) target(%dma_start3A_102 : memref<112xf32, #tpu.memory_space<vmem>>) offsets(%dma_start3A_104 : memref<112xi32, #tpu.memory_space<vmem>>) semaphore(%arg8 : memref<!tpu.dma_semaphore, #tpu.memory_space<semaphore_mem>>)
    %dma_start3A_107 = arith.constant 1904 : i32
    %dma_start3A_108 = tpu.memref_slice %arg7[%dma_start3A_107] : memref<8736xf32, #tpu.memory_space<vmem>> -> memref<112xf32, #tpu.memory_space<vmem>>
    %dma_start3A_109 = arith.constant 1904 : i32
    %dma_start3A_110 = tpu.memref_slice %arg6[%dma_start3A_109] : memref<8736xi32, #tpu.memory_space<vmem>> -> memref<112xi32, #tpu.memory_space<vmem>>
    %dma_start3A_111 = arith.constant 0 : i32
    %dma_start3A_112 = tpu.memref_slice %arg2[%dma_start3A_111] : memref<22633344xf32, #tpu.memory_space<hbm>> -> memref<22633344xf32, #tpu.memory_space<hbm>>
    tpu.enqueue_indirect_dma source(%dma_start3A_112 : memref<22633344xf32, #tpu.memory_space<hbm>>) target(%dma_start3A_108 : memref<112xf32, #tpu.memory_space<vmem>>) offsets(%dma_start3A_110 : memref<112xi32, #tpu.memory_space<vmem>>) semaphore(%arg8 : memref<!tpu.dma_semaphore, #tpu.memory_space<semaphore_mem>>)
    %dma_start3A_113 = arith.constant 2016 : i32
    %dma_start3A_114 = tpu.memref_slice %arg7[%dma_start3A_113] : memref<8736xf32, #tpu.memory_space<vmem>> -> memref<112xf32, #tpu.memory_space<vmem>>
    %dma_start3A_115 = arith.constant 2016 : i32
    %dma_start3A_116 = tpu.memref_slice %arg6[%dma_start3A_115] : memref<8736xi32, #tpu.memory_space<vmem>> -> memref<112xi32, #tpu.memory_space<vmem>>
    %dma_start3A_117 = arith.constant 0 : i32
    %dma_start3A_118 = tpu.memref_slice %arg2[%dma_start3A_117] : memref<22633344xf32, #tpu.memory_space<hbm>> -> memref<22633344xf32, #tpu.memory_space<hbm>>
    tpu.enqueue_indirect_dma source(%dma_start3A_118 : memref<22633344xf32, #tpu.memory_space<hbm>>) target(%dma_start3A_114 : memref<112xf32, #tpu.memory_space<vmem>>) offsets(%dma_start3A_116 : memref<112xi32, #tpu.memory_space<vmem>>) semaphore(%arg8 : memref<!tpu.dma_semaphore, #tpu.memory_space<semaphore_mem>>)
    %dma_start3A_119 = arith.constant 2128 : i32
    %dma_start3A_120 = tpu.memref_slice %arg7[%dma_start3A_119] : memref<8736xf32, #tpu.memory_space<vmem>> -> memref<112xf32, #tpu.memory_space<vmem>>
    %dma_start3A_121 = arith.constant 2128 : i32
    %dma_start3A_122 = tpu.memref_slice %arg6[%dma_start3A_121] : memref<8736xi32, #tpu.memory_space<vmem>> -> memref<112xi32, #tpu.memory_space<vmem>>
    %dma_start3A_123 = arith.constant 0 : i32
    %dma_start3A_124 = tpu.memref_slice %arg2[%dma_start3A_123] : memref<22633344xf32, #tpu.memory_space<hbm>> -> memref<22633344xf32, #tpu.memory_space<hbm>>
    tpu.enqueue_indirect_dma source(%dma_start3A_124 : memref<22633344xf32, #tpu.memory_space<hbm>>) target(%dma_start3A_120 : memref<112xf32, #tpu.memory_space<vmem>>) offsets(%dma_start3A_122 : memref<112xi32, #tpu.memory_space<vmem>>) semaphore(%arg8 : memref<!tpu.dma_semaphore, #tpu.memory_space<semaphore_mem>>)
    %dma_start3A_125 = arith.constant 2240 : i32
    %dma_start3A_126 = tpu.memref_slice %arg7[%dma_start3A_125] : memref<8736xf32, #tpu.memory_space<vmem>> -> memref<112xf32, #tpu.memory_space<vmem>>
    %dma_start3A_127 = arith.constant 2240 : i32
    %dma_start3A_128 = tpu.memref_slice %arg6[%dma_start3A_127] : memref<8736xi32, #tpu.memory_space<vmem>> -> memref<112xi32, #tpu.memory_space<vmem>>
    %dma_start3A_129 = arith.constant 0 : i32
    %dma_start3A_130 = tpu.memref_slice %arg2[%dma_start3A_129] : memref<22633344xf32, #tpu.memory_space<hbm>> -> memref<22633344xf32, #tpu.memory_space<hbm>>
    tpu.enqueue_indirect_dma source(%dma_start3A_130 : memref<22633344xf32, #tpu.memory_space<hbm>>) target(%dma_start3A_126 : memref<112xf32, #tpu.memory_space<vmem>>) offsets(%dma_start3A_128 : memref<112xi32, #tpu.memory_space<vmem>>) semaphore(%arg8 : memref<!tpu.dma_semaphore, #tpu.memory_space<semaphore_mem>>)
    %dma_start3A_131 = arith.constant 2352 : i32
    %dma_start3A_132 = tpu.memref_slice %arg7[%dma_start3A_131] : memref<8736xf32, #tpu.memory_space<vmem>> -> memref<112xf32, #tpu.memory_space<vmem>>
    %dma_start3A_133 = arith.constant 2352 : i32
    %dma_start3A_134 = tpu.memref_slice %arg6[%dma_start3A_133] : memref<8736xi32, #tpu.memory_space<vmem>> -> memref<112xi32, #tpu.memory_space<vmem>>
    %dma_start3A_135 = arith.constant 0 : i32
    %dma_start3A_136 = tpu.memref_slice %arg2[%dma_start3A_135] : memref<22633344xf32, #tpu.memory_space<hbm>> -> memref<22633344xf32, #tpu.memory_space<hbm>>
    tpu.enqueue_indirect_dma source(%dma_start3A_136 : memref<22633344xf32, #tpu.memory_space<hbm>>) target(%dma_start3A_132 : memref<112xf32, #tpu.memory_space<vmem>>) offsets(%dma_start3A_134 : memref<112xi32, #tpu.memory_space<vmem>>) semaphore(%arg8 : memref<!tpu.dma_semaphore, #tpu.memory_space<semaphore_mem>>)
    %dma_start3A_137 = arith.constant 2464 : i32
    %dma_start3A_138 = tpu.memref_slice %arg7[%dma_start3A_137] : memref<8736xf32, #tpu.memory_space<vmem>> -> memref<112xf32, #tpu.memory_space<vmem>>
    %dma_start3A_139 = arith.constant 2464 : i32
    %dma_start3A_140 = tpu.memref_slice %arg6[%dma_start3A_139] : memref<8736xi32, #tpu.memory_space<vmem>> -> memref<112xi32, #tpu.memory_space<vmem>>
    %dma_start3A_141 = arith.constant 0 : i32
    %dma_start3A_142 = tpu.memref_slice %arg2[%dma_start3A_141] : memref<22633344xf32, #tpu.memory_space<hbm>> -> memref<22633344xf32, #tpu.memory_space<hbm>>
    tpu.enqueue_indirect_dma source(%dma_start3A_142 : memref<22633344xf32, #tpu.memory_space<hbm>>) target(%dma_start3A_138 : memref<112xf32, #tpu.memory_space<vmem>>) offsets(%dma_start3A_140 : memref<112xi32, #tpu.memory_space<vmem>>) semaphore(%arg8 : memref<!tpu.dma_semaphore, #tpu.memory_space<semaphore_mem>>)
    %dma_start3A_143 = arith.constant 2576 : i32
    %dma_start3A_144 = tpu.memref_slice %arg7[%dma_start3A_143] : memref<8736xf32, #tpu.memory_space<vmem>> -> memref<112xf32, #tpu.memory_space<vmem>>
    %dma_start3A_145 = arith.constant 2576 : i32
    %dma_start3A_146 = tpu.memref_slice %arg6[%dma_start3A_145] : memref<8736xi32, #tpu.memory_space<vmem>> -> memref<112xi32, #tpu.memory_space<vmem>>
    %dma_start3A_147 = arith.constant 0 : i32
    %dma_start3A_148 = tpu.memref_slice %arg2[%dma_start3A_147] : memref<22633344xf32, #tpu.memory_space<hbm>> -> memref<22633344xf32, #tpu.memory_space<hbm>>
    tpu.enqueue_indirect_dma source(%dma_start3A_148 : memref<22633344xf32, #tpu.memory_space<hbm>>) target(%dma_start3A_144 : memref<112xf32, #tpu.memory_space<vmem>>) offsets(%dma_start3A_146 : memref<112xi32, #tpu.memory_space<vmem>>) semaphore(%arg8 : memref<!tpu.dma_semaphore, #tpu.memory_space<semaphore_mem>>)
    %dma_start3A_149 = arith.constant 2688 : i32
    %dma_start3A_150 = tpu.memref_slice %arg7[%dma_start3A_149] : memref<8736xf32, #tpu.memory_space<vmem>> -> memref<112xf32, #tpu.memory_space<vmem>>
    %dma_start3A_151 = arith.constant 2688 : i32
    %dma_start3A_152 = tpu.memref_slice %arg6[%dma_start3A_151] : memref<8736xi32, #tpu.memory_space<vmem>> -> memref<112xi32, #tpu.memory_space<vmem>>
    %dma_start3A_153 = arith.constant 0 : i32
    %dma_start3A_154 = tpu.memref_slice %arg2[%dma_start3A_153] : memref<22633344xf32, #tpu.memory_space<hbm>> -> memref<22633344xf32, #tpu.memory_space<hbm>>
    tpu.enqueue_indirect_dma source(%dma_start3A_154 : memref<22633344xf32, #tpu.memory_space<hbm>>) target(%dma_start3A_150 : memref<112xf32, #tpu.memory_space<vmem>>) offsets(%dma_start3A_152 : memref<112xi32, #tpu.memory_space<vmem>>) semaphore(%arg8 : memref<!tpu.dma_semaphore, #tpu.memory_space<semaphore_mem>>)
    %dma_start3A_155 = arith.constant 2800 : i32
    %dma_start3A_156 = tpu.memref_slice %arg7[%dma_start3A_155] : memref<8736xf32, #tpu.memory_space<vmem>> -> memref<112xf32, #tpu.memory_space<vmem>>
    %dma_start3A_157 = arith.constant 2800 : i32
    %dma_start3A_158 = tpu.memref_slice %arg6[%dma_start3A_157] : memref<8736xi32, #tpu.memory_space<vmem>> -> memref<112xi32, #tpu.memory_space<vmem>>
    %dma_start3A_159 = arith.constant 0 : i32
    %dma_start3A_160 = tpu.memref_slice %arg2[%dma_start3A_159] : memref<22633344xf32, #tpu.memory_space<hbm>> -> memref<22633344xf32, #tpu.memory_space<hbm>>
    tpu.enqueue_indirect_dma source(%dma_start3A_160 : memref<22633344xf32, #tpu.memory_space<hbm>>) target(%dma_start3A_156 : memref<112xf32, #tpu.memory_space<vmem>>) offsets(%dma_start3A_158 : memref<112xi32, #tpu.memory_space<vmem>>) semaphore(%arg8 : memref<!tpu.dma_semaphore, #tpu.memory_space<semaphore_mem>>)
    %dma_start3A_161 = arith.constant 2912 : i32
    %dma_start3A_162 = tpu.memref_slice %arg7[%dma_start3A_161] : memref<8736xf32, #tpu.memory_space<vmem>> -> memref<112xf32, #tpu.memory_space<vmem>>
    %dma_start3A_163 = arith.constant 2912 : i32
    %dma_start3A_164 = tpu.memref_slice %arg6[%dma_start3A_163] : memref<8736xi32, #tpu.memory_space<vmem>> -> memref<112xi32, #tpu.memory_space<vmem>>
    %dma_start3A_165 = arith.constant 0 : i32
    %dma_start3A_166 = tpu.memref_slice %arg2[%dma_start3A_165] : memref<22633344xf32, #tpu.memory_space<hbm>> -> memref<22633344xf32, #tpu.memory_space<hbm>>
    tpu.enqueue_indirect_dma source(%dma_start3A_166 : memref<22633344xf32, #tpu.memory_space<hbm>>) target(%dma_start3A_162 : memref<112xf32, #tpu.memory_space<vmem>>) offsets(%dma_start3A_164 : memref<112xi32, #tpu.memory_space<vmem>>) semaphore(%arg8 : memref<!tpu.dma_semaphore, #tpu.memory_space<semaphore_mem>>)
    %dma_start3A_167 = arith.constant 3024 : i32
    %dma_start3A_168 = tpu.memref_slice %arg7[%dma_start3A_167] : memref<8736xf32, #tpu.memory_space<vmem>> -> memref<112xf32, #tpu.memory_space<vmem>>
    %dma_start3A_169 = arith.constant 3024 : i32
    %dma_start3A_170 = tpu.memref_slice %arg6[%dma_start3A_169] : memref<8736xi32, #tpu.memory_space<vmem>> -> memref<112xi32, #tpu.memory_space<vmem>>
    %dma_start3A_171 = arith.constant 0 : i32
    %dma_start3A_172 = tpu.memref_slice %arg2[%dma_start3A_171] : memref<22633344xf32, #tpu.memory_space<hbm>> -> memref<22633344xf32, #tpu.memory_space<hbm>>
    tpu.enqueue_indirect_dma source(%dma_start3A_172 : memref<22633344xf32, #tpu.memory_space<hbm>>) target(%dma_start3A_168 : memref<112xf32, #tpu.memory_space<vmem>>) offsets(%dma_start3A_170 : memref<112xi32, #tpu.memory_space<vmem>>) semaphore(%arg8 : memref<!tpu.dma_semaphore, #tpu.memory_space<semaphore_mem>>)
    %dma_start3A_173 = arith.constant 3136 : i32
    %dma_start3A_174 = tpu.memref_slice %arg7[%dma_start3A_173] : memref<8736xf32, #tpu.memory_space<vmem>> -> memref<112xf32, #tpu.memory_space<vmem>>
    %dma_start3A_175 = arith.constant 3136 : i32
    %dma_start3A_176 = tpu.memref_slice %arg6[%dma_start3A_175] : memref<8736xi32, #tpu.memory_space<vmem>> -> memref<112xi32, #tpu.memory_space<vmem>>
    %dma_start3A_177 = arith.constant 0 : i32
    %dma_start3A_178 = tpu.memref_slice %arg2[%dma_start3A_177] : memref<22633344xf32, #tpu.memory_space<hbm>> -> memref<22633344xf32, #tpu.memory_space<hbm>>
    tpu.enqueue_indirect_dma source(%dma_start3A_178 : memref<22633344xf32, #tpu.memory_space<hbm>>) target(%dma_start3A_174 : memref<112xf32, #tpu.memory_space<vmem>>) offsets(%dma_start3A_176 : memref<112xi32, #tpu.memory_space<vmem>>) semaphore(%arg8 : memref<!tpu.dma_semaphore, #tpu.memory_space<semaphore_mem>>)
    %dma_start3A_179 = arith.constant 3248 : i32
    %dma_start3A_180 = tpu.memref_slice %arg7[%dma_start3A_179] : memref<8736xf32, #tpu.memory_space<vmem>> -> memref<112xf32, #tpu.memory_space<vmem>>
    %dma_start3A_181 = arith.constant 3248 : i32
    %dma_start3A_182 = tpu.memref_slice %arg6[%dma_start3A_181] : memref<8736xi32, #tpu.memory_space<vmem>> -> memref<112xi32, #tpu.memory_space<vmem>>
    %dma_start3A_183 = arith.constant 0 : i32
    %dma_start3A_184 = tpu.memref_slice %arg2[%dma_start3A_183] : memref<22633344xf32, #tpu.memory_space<hbm>> -> memref<22633344xf32, #tpu.memory_space<hbm>>
    tpu.enqueue_indirect_dma source(%dma_start3A_184 : memref<22633344xf32, #tpu.memory_space<hbm>>) target(%dma_start3A_180 : memref<112xf32, #tpu.memory_space<vmem>>) offsets(%dma_start3A_182 : memref<112xi32, #tpu.memory_space<vmem>>) semaphore(%arg8 : memref<!tpu.dma_semaphore, #tpu.memory_space<semaphore_mem>>)
    %dma_start3A_185 = arith.constant 3360 : i32
    %dma_start3A_186 = tpu.memref_slice %arg7[%dma_start3A_185] : memref<8736xf32, #tpu.memory_space<vmem>> -> memref<112xf32, #tpu.memory_space<vmem>>
    %dma_start3A_187 = arith.constant 3360 : i32
    %dma_start3A_188 = tpu.memref_slice %arg6[%dma_start3A_187] : memref<8736xi32, #tpu.memory_space<vmem>> -> memref<112xi32, #tpu.memory_space<vmem>>
    %dma_start3A_189 = arith.constant 0 : i32
    %dma_start3A_190 = tpu.memref_slice %arg2[%dma_start3A_189] : memref<22633344xf32, #tpu.memory_space<hbm>> -> memref<22633344xf32, #tpu.memory_space<hbm>>
    tpu.enqueue_indirect_dma source(%dma_start3A_190 : memref<22633344xf32, #tpu.memory_space<hbm>>) target(%dma_start3A_186 : memref<112xf32, #tpu.memory_space<vmem>>) offsets(%dma_start3A_188 : memref<112xi32, #tpu.memory_space<vmem>>) semaphore(%arg8 : memref<!tpu.dma_semaphore, #tpu.memory_space<semaphore_mem>>)
    %dma_start3A_191 = arith.constant 3472 : i32
    %dma_start3A_192 = tpu.memref_slice %arg7[%dma_start3A_191] : memref<8736xf32, #tpu.memory_space<vmem>> -> memref<112xf32, #tpu.memory_space<vmem>>
    %dma_start3A_193 = arith.constant 3472 : i32
    %dma_start3A_194 = tpu.memref_slice %arg6[%dma_start3A_193] : memref<8736xi32, #tpu.memory_space<vmem>> -> memref<112xi32, #tpu.memory_space<vmem>>
    %dma_start3A_195 = arith.constant 0 : i32
    %dma_start3A_196 = tpu.memref_slice %arg2[%dma_start3A_195] : memref<22633344xf32, #tpu.memory_space<hbm>> -> memref<22633344xf32, #tpu.memory_space<hbm>>
    tpu.enqueue_indirect_dma source(%dma_start3A_196 : memref<22633344xf32, #tpu.memory_space<hbm>>) target(%dma_start3A_192 : memref<112xf32, #tpu.memory_space<vmem>>) offsets(%dma_start3A_194 : memref<112xi32, #tpu.memory_space<vmem>>) semaphore(%arg8 : memref<!tpu.dma_semaphore, #tpu.memory_space<semaphore_mem>>)
    %dma_start3A_197 = arith.constant 3584 : i32
    %dma_start3A_198 = tpu.memref_slice %arg7[%dma_start3A_197] : memref<8736xf32, #tpu.memory_space<vmem>> -> memref<112xf32, #tpu.memory_space<vmem>>
    %dma_start3A_199 = arith.constant 3584 : i32
    %dma_start3A_200 = tpu.memref_slice %arg6[%dma_start3A_199] : memref<8736xi32, #tpu.memory_space<vmem>> -> memref<112xi32, #tpu.memory_space<vmem>>
    %dma_start3A_201 = arith.constant 0 : i32
    %dma_start3A_202 = tpu.memref_slice %arg2[%dma_start3A_201] : memref<22633344xf32, #tpu.memory_space<hbm>> -> memref<22633344xf32, #tpu.memory_space<hbm>>
    tpu.enqueue_indirect_dma source(%dma_start3A_202 : memref<22633344xf32, #tpu.memory_space<hbm>>) target(%dma_start3A_198 : memref<112xf32, #tpu.memory_space<vmem>>) offsets(%dma_start3A_200 : memref<112xi32, #tpu.memory_space<vmem>>) semaphore(%arg8 : memref<!tpu.dma_semaphore, #tpu.memory_space<semaphore_mem>>)
    %dma_start3A_203 = arith.constant 3696 : i32
    %dma_start3A_204 = tpu.memref_slice %arg7[%dma_start3A_203] : memref<8736xf32, #tpu.memory_space<vmem>> -> memref<112xf32, #tpu.memory_space<vmem>>
    %dma_start3A_205 = arith.constant 3696 : i32
    %dma_start3A_206 = tpu.memref_slice %arg6[%dma_start3A_205] : memref<8736xi32, #tpu.memory_space<vmem>> -> memref<112xi32, #tpu.memory_space<vmem>>
    %dma_start3A_207 = arith.constant 0 : i32
    %dma_start3A_208 = tpu.memref_slice %arg2[%dma_start3A_207] : memref<22633344xf32, #tpu.memory_space<hbm>> -> memref<22633344xf32, #tpu.memory_space<hbm>>
    tpu.enqueue_indirect_dma source(%dma_start3A_208 : memref<22633344xf32, #tpu.memory_space<hbm>>) target(%dma_start3A_204 : memref<112xf32, #tpu.memory_space<vmem>>) offsets(%dma_start3A_206 : memref<112xi32, #tpu.memory_space<vmem>>) semaphore(%arg8 : memref<!tpu.dma_semaphore, #tpu.memory_space<semaphore_mem>>)
    %dma_start3A_209 = arith.constant 3808 : i32
    %dma_start3A_210 = tpu.memref_slice %arg7[%dma_start3A_209] : memref<8736xf32, #tpu.memory_space<vmem>> -> memref<112xf32, #tpu.memory_space<vmem>>
    %dma_start3A_211 = arith.constant 3808 : i32
    %dma_start3A_212 = tpu.memref_slice %arg6[%dma_start3A_211] : memref<8736xi32, #tpu.memory_space<vmem>> -> memref<112xi32, #tpu.memory_space<vmem>>
    %dma_start3A_213 = arith.constant 0 : i32
    %dma_start3A_214 = tpu.memref_slice %arg2[%dma_start3A_213] : memref<22633344xf32, #tpu.memory_space<hbm>> -> memref<22633344xf32, #tpu.memory_space<hbm>>
    tpu.enqueue_indirect_dma source(%dma_start3A_214 : memref<22633344xf32, #tpu.memory_space<hbm>>) target(%dma_start3A_210 : memref<112xf32, #tpu.memory_space<vmem>>) offsets(%dma_start3A_212 : memref<112xi32, #tpu.memory_space<vmem>>) semaphore(%arg8 : memref<!tpu.dma_semaphore, #tpu.memory_space<semaphore_mem>>)
    %dma_start3A_215 = arith.constant 3920 : i32
    %dma_start3A_216 = tpu.memref_slice %arg7[%dma_start3A_215] : memref<8736xf32, #tpu.memory_space<vmem>> -> memref<112xf32, #tpu.memory_space<vmem>>
    %dma_start3A_217 = arith.constant 3920 : i32
    %dma_start3A_218 = tpu.memref_slice %arg6[%dma_start3A_217] : memref<8736xi32, #tpu.memory_space<vmem>> -> memref<112xi32, #tpu.memory_space<vmem>>
    %dma_start3A_219 = arith.constant 0 : i32
    %dma_start3A_220 = tpu.memref_slice %arg2[%dma_start3A_219] : memref<22633344xf32, #tpu.memory_space<hbm>> -> memref<22633344xf32, #tpu.memory_space<hbm>>
    tpu.enqueue_indirect_dma source(%dma_start3A_220 : memref<22633344xf32, #tpu.memory_space<hbm>>) target(%dma_start3A_216 : memref<112xf32, #tpu.memory_space<vmem>>) offsets(%dma_start3A_218 : memref<112xi32, #tpu.memory_space<vmem>>) semaphore(%arg8 : memref<!tpu.dma_semaphore, #tpu.memory_space<semaphore_mem>>)
    %dma_start3A_221 = arith.constant 4032 : i32
    %dma_start3A_222 = tpu.memref_slice %arg7[%dma_start3A_221] : memref<8736xf32, #tpu.memory_space<vmem>> -> memref<112xf32, #tpu.memory_space<vmem>>
    %dma_start3A_223 = arith.constant 4032 : i32
    %dma_start3A_224 = tpu.memref_slice %arg6[%dma_start3A_223] : memref<8736xi32, #tpu.memory_space<vmem>> -> memref<112xi32, #tpu.memory_space<vmem>>
    %dma_start3A_225 = arith.constant 0 : i32
    %dma_start3A_226 = tpu.memref_slice %arg2[%dma_start3A_225] : memref<22633344xf32, #tpu.memory_space<hbm>> -> memref<22633344xf32, #tpu.memory_space<hbm>>
    tpu.enqueue_indirect_dma source(%dma_start3A_226 : memref<22633344xf32, #tpu.memory_space<hbm>>) target(%dma_start3A_222 : memref<112xf32, #tpu.memory_space<vmem>>) offsets(%dma_start3A_224 : memref<112xi32, #tpu.memory_space<vmem>>) semaphore(%arg8 : memref<!tpu.dma_semaphore, #tpu.memory_space<semaphore_mem>>)
    %dma_start3A_227 = arith.constant 4144 : i32
    %dma_start3A_228 = tpu.memref_slice %arg7[%dma_start3A_227] : memref<8736xf32, #tpu.memory_space<vmem>> -> memref<112xf32, #tpu.memory_space<vmem>>
    %dma_start3A_229 = arith.constant 4144 : i32
    %dma_start3A_230 = tpu.memref_slice %arg6[%dma_start3A_229] : memref<8736xi32, #tpu.memory_space<vmem>> -> memref<112xi32, #tpu.memory_space<vmem>>
    %dma_start3A_231 = arith.constant 0 : i32
    %dma_start3A_232 = tpu.memref_slice %arg2[%dma_start3A_231] : memref<22633344xf32, #tpu.memory_space<hbm>> -> memref<22633344xf32, #tpu.memory_space<hbm>>
    tpu.enqueue_indirect_dma source(%dma_start3A_232 : memref<22633344xf32, #tpu.memory_space<hbm>>) target(%dma_start3A_228 : memref<112xf32, #tpu.memory_space<vmem>>) offsets(%dma_start3A_230 : memref<112xi32, #tpu.memory_space<vmem>>) semaphore(%arg8 : memref<!tpu.dma_semaphore, #tpu.memory_space<semaphore_mem>>)
    %dma_start3A_233 = arith.constant 4256 : i32
    %dma_start3A_234 = tpu.memref_slice %arg7[%dma_start3A_233] : memref<8736xf32, #tpu.memory_space<vmem>> -> memref<112xf32, #tpu.memory_space<vmem>>
    %dma_start3A_235 = arith.constant 4256 : i32
    %dma_start3A_236 = tpu.memref_slice %arg6[%dma_start3A_235] : memref<8736xi32, #tpu.memory_space<vmem>> -> memref<112xi32, #tpu.memory_space<vmem>>
    %dma_start3A_237 = arith.constant 0 : i32
    %dma_start3A_238 = tpu.memref_slice %arg2[%dma_start3A_237] : memref<22633344xf32, #tpu.memory_space<hbm>> -> memref<22633344xf32, #tpu.memory_space<hbm>>
    tpu.enqueue_indirect_dma source(%dma_start3A_238 : memref<22633344xf32, #tpu.memory_space<hbm>>) target(%dma_start3A_234 : memref<112xf32, #tpu.memory_space<vmem>>) offsets(%dma_start3A_236 : memref<112xi32, #tpu.memory_space<vmem>>) semaphore(%arg8 : memref<!tpu.dma_semaphore, #tpu.memory_space<semaphore_mem>>)
    %dma_start3A_239 = arith.constant 4368 : i32
    %dma_start3A_240 = tpu.memref_slice %arg7[%dma_start3A_239] : memref<8736xf32, #tpu.memory_space<vmem>> -> memref<112xf32, #tpu.memory_space<vmem>>
    %dma_start3A_241 = arith.constant 4368 : i32
    %dma_start3A_242 = tpu.memref_slice %arg6[%dma_start3A_241] : memref<8736xi32, #tpu.memory_space<vmem>> -> memref<112xi32, #tpu.memory_space<vmem>>
    %dma_start3A_243 = arith.constant 0 : i32
    %dma_start3A_244 = tpu.memref_slice %arg2[%dma_start3A_243] : memref<22633344xf32, #tpu.memory_space<hbm>> -> memref<22633344xf32, #tpu.memory_space<hbm>>
    tpu.enqueue_indirect_dma source(%dma_start3A_244 : memref<22633344xf32, #tpu.memory_space<hbm>>) target(%dma_start3A_240 : memref<112xf32, #tpu.memory_space<vmem>>) offsets(%dma_start3A_242 : memref<112xi32, #tpu.memory_space<vmem>>) semaphore(%arg8 : memref<!tpu.dma_semaphore, #tpu.memory_space<semaphore_mem>>)
    %dma_start3A_245 = arith.constant 4480 : i32
    %dma_start3A_246 = tpu.memref_slice %arg7[%dma_start3A_245] : memref<8736xf32, #tpu.memory_space<vmem>> -> memref<112xf32, #tpu.memory_space<vmem>>
    %dma_start3A_247 = arith.constant 4480 : i32
    %dma_start3A_248 = tpu.memref_slice %arg6[%dma_start3A_247] : memref<8736xi32, #tpu.memory_space<vmem>> -> memref<112xi32, #tpu.memory_space<vmem>>
    %dma_start3A_249 = arith.constant 0 : i32
    %dma_start3A_250 = tpu.memref_slice %arg2[%dma_start3A_249] : memref<22633344xf32, #tpu.memory_space<hbm>> -> memref<22633344xf32, #tpu.memory_space<hbm>>
    tpu.enqueue_indirect_dma source(%dma_start3A_250 : memref<22633344xf32, #tpu.memory_space<hbm>>) target(%dma_start3A_246 : memref<112xf32, #tpu.memory_space<vmem>>) offsets(%dma_start3A_248 : memref<112xi32, #tpu.memory_space<vmem>>) semaphore(%arg8 : memref<!tpu.dma_semaphore, #tpu.memory_space<semaphore_mem>>)
    %dma_start3A_251 = arith.constant 4592 : i32
    %dma_start3A_252 = tpu.memref_slice %arg7[%dma_start3A_251] : memref<8736xf32, #tpu.memory_space<vmem>> -> memref<112xf32, #tpu.memory_space<vmem>>
    %dma_start3A_253 = arith.constant 4592 : i32
    %dma_start3A_254 = tpu.memref_slice %arg6[%dma_start3A_253] : memref<8736xi32, #tpu.memory_space<vmem>> -> memref<112xi32, #tpu.memory_space<vmem>>
    %dma_start3A_255 = arith.constant 0 : i32
    %dma_start3A_256 = tpu.memref_slice %arg2[%dma_start3A_255] : memref<22633344xf32, #tpu.memory_space<hbm>> -> memref<22633344xf32, #tpu.memory_space<hbm>>
    tpu.enqueue_indirect_dma source(%dma_start3A_256 : memref<22633344xf32, #tpu.memory_space<hbm>>) target(%dma_start3A_252 : memref<112xf32, #tpu.memory_space<vmem>>) offsets(%dma_start3A_254 : memref<112xi32, #tpu.memory_space<vmem>>) semaphore(%arg8 : memref<!tpu.dma_semaphore, #tpu.memory_space<semaphore_mem>>)
    %dma_start3A_257 = arith.constant 4704 : i32
    %dma_start3A_258 = tpu.memref_slice %arg7[%dma_start3A_257] : memref<8736xf32, #tpu.memory_space<vmem>> -> memref<112xf32, #tpu.memory_space<vmem>>
    %dma_start3A_259 = arith.constant 4704 : i32
    %dma_start3A_260 = tpu.memref_slice %arg6[%dma_start3A_259] : memref<8736xi32, #tpu.memory_space<vmem>> -> memref<112xi32, #tpu.memory_space<vmem>>
    %dma_start3A_261 = arith.constant 0 : i32
    %dma_start3A_262 = tpu.memref_slice %arg2[%dma_start3A_261] : memref<22633344xf32, #tpu.memory_space<hbm>> -> memref<22633344xf32, #tpu.memory_space<hbm>>
    tpu.enqueue_indirect_dma source(%dma_start3A_262 : memref<22633344xf32, #tpu.memory_space<hbm>>) target(%dma_start3A_258 : memref<112xf32, #tpu.memory_space<vmem>>) offsets(%dma_start3A_260 : memref<112xi32, #tpu.memory_space<vmem>>) semaphore(%arg8 : memref<!tpu.dma_semaphore, #tpu.memory_space<semaphore_mem>>)
    %dma_start3A_263 = arith.constant 4816 : i32
    %dma_start3A_264 = tpu.memref_slice %arg7[%dma_start3A_263] : memref<8736xf32, #tpu.memory_space<vmem>> -> memref<112xf32, #tpu.memory_space<vmem>>
    %dma_start3A_265 = arith.constant 4816 : i32
    %dma_start3A_266 = tpu.memref_slice %arg6[%dma_start3A_265] : memref<8736xi32, #tpu.memory_space<vmem>> -> memref<112xi32, #tpu.memory_space<vmem>>
    %dma_start3A_267 = arith.constant 0 : i32
    %dma_start3A_268 = tpu.memref_slice %arg2[%dma_start3A_267] : memref<22633344xf32, #tpu.memory_space<hbm>> -> memref<22633344xf32, #tpu.memory_space<hbm>>
    tpu.enqueue_indirect_dma source(%dma_start3A_268 : memref<22633344xf32, #tpu.memory_space<hbm>>) target(%dma_start3A_264 : memref<112xf32, #tpu.memory_space<vmem>>) offsets(%dma_start3A_266 : memref<112xi32, #tpu.memory_space<vmem>>) semaphore(%arg8 : memref<!tpu.dma_semaphore, #tpu.memory_space<semaphore_mem>>)
    %dma_start3A_269 = arith.constant 4928 : i32
    %dma_start3A_270 = tpu.memref_slice %arg7[%dma_start3A_269] : memref<8736xf32, #tpu.memory_space<vmem>> -> memref<112xf32, #tpu.memory_space<vmem>>
    %dma_start3A_271 = arith.constant 4928 : i32
    %dma_start3A_272 = tpu.memref_slice %arg6[%dma_start3A_271] : memref<8736xi32, #tpu.memory_space<vmem>> -> memref<112xi32, #tpu.memory_space<vmem>>
    %dma_start3A_273 = arith.constant 0 : i32
    %dma_start3A_274 = tpu.memref_slice %arg2[%dma_start3A_273] : memref<22633344xf32, #tpu.memory_space<hbm>> -> memref<22633344xf32, #tpu.memory_space<hbm>>
    tpu.enqueue_indirect_dma source(%dma_start3A_274 : memref<22633344xf32, #tpu.memory_space<hbm>>) target(%dma_start3A_270 : memref<112xf32, #tpu.memory_space<vmem>>) offsets(%dma_start3A_272 : memref<112xi32, #tpu.memory_space<vmem>>) semaphore(%arg8 : memref<!tpu.dma_semaphore, #tpu.memory_space<semaphore_mem>>)
    %dma_start3A_275 = arith.constant 5040 : i32
    %dma_start3A_276 = tpu.memref_slice %arg7[%dma_start3A_275] : memref<8736xf32, #tpu.memory_space<vmem>> -> memref<112xf32, #tpu.memory_space<vmem>>
    %dma_start3A_277 = arith.constant 5040 : i32
    %dma_start3A_278 = tpu.memref_slice %arg6[%dma_start3A_277] : memref<8736xi32, #tpu.memory_space<vmem>> -> memref<112xi32, #tpu.memory_space<vmem>>
    %dma_start3A_279 = arith.constant 0 : i32
    %dma_start3A_280 = tpu.memref_slice %arg2[%dma_start3A_279] : memref<22633344xf32, #tpu.memory_space<hbm>> -> memref<22633344xf32, #tpu.memory_space<hbm>>
    tpu.enqueue_indirect_dma source(%dma_start3A_280 : memref<22633344xf32, #tpu.memory_space<hbm>>) target(%dma_start3A_276 : memref<112xf32, #tpu.memory_space<vmem>>) offsets(%dma_start3A_278 : memref<112xi32, #tpu.memory_space<vmem>>) semaphore(%arg8 : memref<!tpu.dma_semaphore, #tpu.memory_space<semaphore_mem>>)
    %dma_start3A_281 = arith.constant 5152 : i32
    %dma_start3A_282 = tpu.memref_slice %arg7[%dma_start3A_281] : memref<8736xf32, #tpu.memory_space<vmem>> -> memref<112xf32, #tpu.memory_space<vmem>>
    %dma_start3A_283 = arith.constant 5152 : i32
    %dma_start3A_284 = tpu.memref_slice %arg6[%dma_start3A_283] : memref<8736xi32, #tpu.memory_space<vmem>> -> memref<112xi32, #tpu.memory_space<vmem>>
    %dma_start3A_285 = arith.constant 0 : i32
    %dma_start3A_286 = tpu.memref_slice %arg2[%dma_start3A_285] : memref<22633344xf32, #tpu.memory_space<hbm>> -> memref<22633344xf32, #tpu.memory_space<hbm>>
    tpu.enqueue_indirect_dma source(%dma_start3A_286 : memref<22633344xf32, #tpu.memory_space<hbm>>) target(%dma_start3A_282 : memref<112xf32, #tpu.memory_space<vmem>>) offsets(%dma_start3A_284 : memref<112xi32, #tpu.memory_space<vmem>>) semaphore(%arg8 : memref<!tpu.dma_semaphore, #tpu.memory_space<semaphore_mem>>)
    %dma_start3A_287 = arith.constant 5264 : i32
    %dma_start3A_288 = tpu.memref_slice %arg7[%dma_start3A_287] : memref<8736xf32, #tpu.memory_space<vmem>> -> memref<112xf32, #tpu.memory_space<vmem>>
    %dma_start3A_289 = arith.constant 5264 : i32
    %dma_start3A_290 = tpu.memref_slice %arg6[%dma_start3A_289] : memref<8736xi32, #tpu.memory_space<vmem>> -> memref<112xi32, #tpu.memory_space<vmem>>
    %dma_start3A_291 = arith.constant 0 : i32
    %dma_start3A_292 = tpu.memref_slice %arg2[%dma_start3A_291] : memref<22633344xf32, #tpu.memory_space<hbm>> -> memref<22633344xf32, #tpu.memory_space<hbm>>
    tpu.enqueue_indirect_dma source(%dma_start3A_292 : memref<22633344xf32, #tpu.memory_space<hbm>>) target(%dma_start3A_288 : memref<112xf32, #tpu.memory_space<vmem>>) offsets(%dma_start3A_290 : memref<112xi32, #tpu.memory_space<vmem>>) semaphore(%arg8 : memref<!tpu.dma_semaphore, #tpu.memory_space<semaphore_mem>>)
    %dma_start3A_293 = arith.constant 5376 : i32
    %dma_start3A_294 = tpu.memref_slice %arg7[%dma_start3A_293] : memref<8736xf32, #tpu.memory_space<vmem>> -> memref<112xf32, #tpu.memory_space<vmem>>
    %dma_start3A_295 = arith.constant 5376 : i32
    %dma_start3A_296 = tpu.memref_slice %arg6[%dma_start3A_295] : memref<8736xi32, #tpu.memory_space<vmem>> -> memref<112xi32, #tpu.memory_space<vmem>>
    %dma_start3A_297 = arith.constant 0 : i32
    %dma_start3A_298 = tpu.memref_slice %arg2[%dma_start3A_297] : memref<22633344xf32, #tpu.memory_space<hbm>> -> memref<22633344xf32, #tpu.memory_space<hbm>>
    tpu.enqueue_indirect_dma source(%dma_start3A_298 : memref<22633344xf32, #tpu.memory_space<hbm>>) target(%dma_start3A_294 : memref<112xf32, #tpu.memory_space<vmem>>) offsets(%dma_start3A_296 : memref<112xi32, #tpu.memory_space<vmem>>) semaphore(%arg8 : memref<!tpu.dma_semaphore, #tpu.memory_space<semaphore_mem>>)
    %dma_start3A_299 = arith.constant 5488 : i32
    %dma_start3A_300 = tpu.memref_slice %arg7[%dma_start3A_299] : memref<8736xf32, #tpu.memory_space<vmem>> -> memref<112xf32, #tpu.memory_space<vmem>>
    %dma_start3A_301 = arith.constant 5488 : i32
    %dma_start3A_302 = tpu.memref_slice %arg6[%dma_start3A_301] : memref<8736xi32, #tpu.memory_space<vmem>> -> memref<112xi32, #tpu.memory_space<vmem>>
    %dma_start3A_303 = arith.constant 0 : i32
    %dma_start3A_304 = tpu.memref_slice %arg2[%dma_start3A_303] : memref<22633344xf32, #tpu.memory_space<hbm>> -> memref<22633344xf32, #tpu.memory_space<hbm>>
    tpu.enqueue_indirect_dma source(%dma_start3A_304 : memref<22633344xf32, #tpu.memory_space<hbm>>) target(%dma_start3A_300 : memref<112xf32, #tpu.memory_space<vmem>>) offsets(%dma_start3A_302 : memref<112xi32, #tpu.memory_space<vmem>>) semaphore(%arg8 : memref<!tpu.dma_semaphore, #tpu.memory_space<semaphore_mem>>)
    %dma_start3A_305 = arith.constant 5600 : i32
    %dma_start3A_306 = tpu.memref_slice %arg7[%dma_start3A_305] : memref<8736xf32, #tpu.memory_space<vmem>> -> memref<112xf32, #tpu.memory_space<vmem>>
    %dma_start3A_307 = arith.constant 5600 : i32
    %dma_start3A_308 = tpu.memref_slice %arg6[%dma_start3A_307] : memref<8736xi32, #tpu.memory_space<vmem>> -> memref<112xi32, #tpu.memory_space<vmem>>
    %dma_start3A_309 = arith.constant 0 : i32
    %dma_start3A_310 = tpu.memref_slice %arg2[%dma_start3A_309] : memref<22633344xf32, #tpu.memory_space<hbm>> -> memref<22633344xf32, #tpu.memory_space<hbm>>
    tpu.enqueue_indirect_dma source(%dma_start3A_310 : memref<22633344xf32, #tpu.memory_space<hbm>>) target(%dma_start3A_306 : memref<112xf32, #tpu.memory_space<vmem>>) offsets(%dma_start3A_308 : memref<112xi32, #tpu.memory_space<vmem>>) semaphore(%arg8 : memref<!tpu.dma_semaphore, #tpu.memory_space<semaphore_mem>>)
    %dma_start3A_311 = arith.constant 5712 : i32
    %dma_start3A_312 = tpu.memref_slice %arg7[%dma_start3A_311] : memref<8736xf32, #tpu.memory_space<vmem>> -> memref<112xf32, #tpu.memory_space<vmem>>
    %dma_start3A_313 = arith.constant 5712 : i32
    %dma_start3A_314 = tpu.memref_slice %arg6[%dma_start3A_313] : memref<8736xi32, #tpu.memory_space<vmem>> -> memref<112xi32, #tpu.memory_space<vmem>>
    %dma_start3A_315 = arith.constant 0 : i32
    %dma_start3A_316 = tpu.memref_slice %arg2[%dma_start3A_315] : memref<22633344xf32, #tpu.memory_space<hbm>> -> memref<22633344xf32, #tpu.memory_space<hbm>>
    tpu.enqueue_indirect_dma source(%dma_start3A_316 : memref<22633344xf32, #tpu.memory_space<hbm>>) target(%dma_start3A_312 : memref<112xf32, #tpu.memory_space<vmem>>) offsets(%dma_start3A_314 : memref<112xi32, #tpu.memory_space<vmem>>) semaphore(%arg8 : memref<!tpu.dma_semaphore, #tpu.memory_space<semaphore_mem>>)
    %dma_start3A_317 = arith.constant 5824 : i32
    %dma_start3A_318 = tpu.memref_slice %arg7[%dma_start3A_317] : memref<8736xf32, #tpu.memory_space<vmem>> -> memref<112xf32, #tpu.memory_space<vmem>>
    %dma_start3A_319 = arith.constant 5824 : i32
    %dma_start3A_320 = tpu.memref_slice %arg6[%dma_start3A_319] : memref<8736xi32, #tpu.memory_space<vmem>> -> memref<112xi32, #tpu.memory_space<vmem>>
    %dma_start3A_321 = arith.constant 0 : i32
    %dma_start3A_322 = tpu.memref_slice %arg2[%dma_start3A_321] : memref<22633344xf32, #tpu.memory_space<hbm>> -> memref<22633344xf32, #tpu.memory_space<hbm>>
    tpu.enqueue_indirect_dma source(%dma_start3A_322 : memref<22633344xf32, #tpu.memory_space<hbm>>) target(%dma_start3A_318 : memref<112xf32, #tpu.memory_space<vmem>>) offsets(%dma_start3A_320 : memref<112xi32, #tpu.memory_space<vmem>>) semaphore(%arg8 : memref<!tpu.dma_semaphore, #tpu.memory_space<semaphore_mem>>)
    %dma_start3A_323 = arith.constant 5936 : i32
    %dma_start3A_324 = tpu.memref_slice %arg7[%dma_start3A_323] : memref<8736xf32, #tpu.memory_space<vmem>> -> memref<112xf32, #tpu.memory_space<vmem>>
    %dma_start3A_325 = arith.constant 5936 : i32
    %dma_start3A_326 = tpu.memref_slice %arg6[%dma_start3A_325] : memref<8736xi32, #tpu.memory_space<vmem>> -> memref<112xi32, #tpu.memory_space<vmem>>
    %dma_start3A_327 = arith.constant 0 : i32
    %dma_start3A_328 = tpu.memref_slice %arg2[%dma_start3A_327] : memref<22633344xf32, #tpu.memory_space<hbm>> -> memref<22633344xf32, #tpu.memory_space<hbm>>
    tpu.enqueue_indirect_dma source(%dma_start3A_328 : memref<22633344xf32, #tpu.memory_space<hbm>>) target(%dma_start3A_324 : memref<112xf32, #tpu.memory_space<vmem>>) offsets(%dma_start3A_326 : memref<112xi32, #tpu.memory_space<vmem>>) semaphore(%arg8 : memref<!tpu.dma_semaphore, #tpu.memory_space<semaphore_mem>>)
    %dma_start3A_329 = arith.constant 6048 : i32
    %dma_start3A_330 = tpu.memref_slice %arg7[%dma_start3A_329] : memref<8736xf32, #tpu.memory_space<vmem>> -> memref<112xf32, #tpu.memory_space<vmem>>
    %dma_start3A_331 = arith.constant 6048 : i32
    %dma_start3A_332 = tpu.memref_slice %arg6[%dma_start3A_331] : memref<8736xi32, #tpu.memory_space<vmem>> -> memref<112xi32, #tpu.memory_space<vmem>>
    %dma_start3A_333 = arith.constant 0 : i32
    %dma_start3A_334 = tpu.memref_slice %arg2[%dma_start3A_333] : memref<22633344xf32, #tpu.memory_space<hbm>> -> memref<22633344xf32, #tpu.memory_space<hbm>>
    tpu.enqueue_indirect_dma source(%dma_start3A_334 : memref<22633344xf32, #tpu.memory_space<hbm>>) target(%dma_start3A_330 : memref<112xf32, #tpu.memory_space<vmem>>) offsets(%dma_start3A_332 : memref<112xi32, #tpu.memory_space<vmem>>) semaphore(%arg8 : memref<!tpu.dma_semaphore, #tpu.memory_space<semaphore_mem>>)
    %dma_start3A_335 = arith.constant 6160 : i32
    %dma_start3A_336 = tpu.memref_slice %arg7[%dma_start3A_335] : memref<8736xf32, #tpu.memory_space<vmem>> -> memref<112xf32, #tpu.memory_space<vmem>>
    %dma_start3A_337 = arith.constant 6160 : i32
    %dma_start3A_338 = tpu.memref_slice %arg6[%dma_start3A_337] : memref<8736xi32, #tpu.memory_space<vmem>> -> memref<112xi32, #tpu.memory_space<vmem>>
    %dma_start3A_339 = arith.constant 0 : i32
    %dma_start3A_340 = tpu.memref_slice %arg2[%dma_start3A_339] : memref<22633344xf32, #tpu.memory_space<hbm>> -> memref<22633344xf32, #tpu.memory_space<hbm>>
    tpu.enqueue_indirect_dma source(%dma_start3A_340 : memref<22633344xf32, #tpu.memory_space<hbm>>) target(%dma_start3A_336 : memref<112xf32, #tpu.memory_space<vmem>>) offsets(%dma_start3A_338 : memref<112xi32, #tpu.memory_space<vmem>>) semaphore(%arg8 : memref<!tpu.dma_semaphore, #tpu.memory_space<semaphore_mem>>)
    %dma_start3A_341 = arith.constant 6272 : i32
    %dma_start3A_342 = tpu.memref_slice %arg7[%dma_start3A_341] : memref<8736xf32, #tpu.memory_space<vmem>> -> memref<112xf32, #tpu.memory_space<vmem>>
    %dma_start3A_343 = arith.constant 6272 : i32
    %dma_start3A_344 = tpu.memref_slice %arg6[%dma_start3A_343] : memref<8736xi32, #tpu.memory_space<vmem>> -> memref<112xi32, #tpu.memory_space<vmem>>
    %dma_start3A_345 = arith.constant 0 : i32
    %dma_start3A_346 = tpu.memref_slice %arg2[%dma_start3A_345] : memref<22633344xf32, #tpu.memory_space<hbm>> -> memref<22633344xf32, #tpu.memory_space<hbm>>
    tpu.enqueue_indirect_dma source(%dma_start3A_346 : memref<22633344xf32, #tpu.memory_space<hbm>>) target(%dma_start3A_342 : memref<112xf32, #tpu.memory_space<vmem>>) offsets(%dma_start3A_344 : memref<112xi32, #tpu.memory_space<vmem>>) semaphore(%arg8 : memref<!tpu.dma_semaphore, #tpu.memory_space<semaphore_mem>>)
    %dma_start3A_347 = arith.constant 6384 : i32
    %dma_start3A_348 = tpu.memref_slice %arg7[%dma_start3A_347] : memref<8736xf32, #tpu.memory_space<vmem>> -> memref<112xf32, #tpu.memory_space<vmem>>
    %dma_start3A_349 = arith.constant 6384 : i32
    %dma_start3A_350 = tpu.memref_slice %arg6[%dma_start3A_349] : memref<8736xi32, #tpu.memory_space<vmem>> -> memref<112xi32, #tpu.memory_space<vmem>>
    %dma_start3A_351 = arith.constant 0 : i32
    %dma_start3A_352 = tpu.memref_slice %arg2[%dma_start3A_351] : memref<22633344xf32, #tpu.memory_space<hbm>> -> memref<22633344xf32, #tpu.memory_space<hbm>>
    tpu.enqueue_indirect_dma source(%dma_start3A_352 : memref<22633344xf32, #tpu.memory_space<hbm>>) target(%dma_start3A_348 : memref<112xf32, #tpu.memory_space<vmem>>) offsets(%dma_start3A_350 : memref<112xi32, #tpu.memory_space<vmem>>) semaphore(%arg8 : memref<!tpu.dma_semaphore, #tpu.memory_space<semaphore_mem>>)
    %dma_start3A_353 = arith.constant 6496 : i32
    %dma_start3A_354 = tpu.memref_slice %arg7[%dma_start3A_353] : memref<8736xf32, #tpu.memory_space<vmem>> -> memref<112xf32, #tpu.memory_space<vmem>>
    %dma_start3A_355 = arith.constant 6496 : i32
    %dma_start3A_356 = tpu.memref_slice %arg6[%dma_start3A_355] : memref<8736xi32, #tpu.memory_space<vmem>> -> memref<112xi32, #tpu.memory_space<vmem>>
    %dma_start3A_357 = arith.constant 0 : i32
    %dma_start3A_358 = tpu.memref_slice %arg2[%dma_start3A_357] : memref<22633344xf32, #tpu.memory_space<hbm>> -> memref<22633344xf32, #tpu.memory_space<hbm>>
    tpu.enqueue_indirect_dma source(%dma_start3A_358 : memref<22633344xf32, #tpu.memory_space<hbm>>) target(%dma_start3A_354 : memref<112xf32, #tpu.memory_space<vmem>>) offsets(%dma_start3A_356 : memref<112xi32, #tpu.memory_space<vmem>>) semaphore(%arg8 : memref<!tpu.dma_semaphore, #tpu.memory_space<semaphore_mem>>)
    %dma_start3A_359 = arith.constant 6608 : i32
    %dma_start3A_360 = tpu.memref_slice %arg7[%dma_start3A_359] : memref<8736xf32, #tpu.memory_space<vmem>> -> memref<112xf32, #tpu.memory_space<vmem>>
    %dma_start3A_361 = arith.constant 6608 : i32
    %dma_start3A_362 = tpu.memref_slice %arg6[%dma_start3A_361] : memref<8736xi32, #tpu.memory_space<vmem>> -> memref<112xi32, #tpu.memory_space<vmem>>
    %dma_start3A_363 = arith.constant 0 : i32
    %dma_start3A_364 = tpu.memref_slice %arg2[%dma_start3A_363] : memref<22633344xf32, #tpu.memory_space<hbm>> -> memref<22633344xf32, #tpu.memory_space<hbm>>
    tpu.enqueue_indirect_dma source(%dma_start3A_364 : memref<22633344xf32, #tpu.memory_space<hbm>>) target(%dma_start3A_360 : memref<112xf32, #tpu.memory_space<vmem>>) offsets(%dma_start3A_362 : memref<112xi32, #tpu.memory_space<vmem>>) semaphore(%arg8 : memref<!tpu.dma_semaphore, #tpu.memory_space<semaphore_mem>>)
    %dma_start3A_365 = arith.constant 6720 : i32
    %dma_start3A_366 = tpu.memref_slice %arg7[%dma_start3A_365] : memref<8736xf32, #tpu.memory_space<vmem>> -> memref<112xf32, #tpu.memory_space<vmem>>
    %dma_start3A_367 = arith.constant 6720 : i32
    %dma_start3A_368 = tpu.memref_slice %arg6[%dma_start3A_367] : memref<8736xi32, #tpu.memory_space<vmem>> -> memref<112xi32, #tpu.memory_space<vmem>>
    %dma_start3A_369 = arith.constant 0 : i32
    %dma_start3A_370 = tpu.memref_slice %arg2[%dma_start3A_369] : memref<22633344xf32, #tpu.memory_space<hbm>> -> memref<22633344xf32, #tpu.memory_space<hbm>>
    tpu.enqueue_indirect_dma source(%dma_start3A_370 : memref<22633344xf32, #tpu.memory_space<hbm>>) target(%dma_start3A_366 : memref<112xf32, #tpu.memory_space<vmem>>) offsets(%dma_start3A_368 : memref<112xi32, #tpu.memory_space<vmem>>) semaphore(%arg8 : memref<!tpu.dma_semaphore, #tpu.memory_space<semaphore_mem>>)
    %dma_start3A_371 = arith.constant 6832 : i32
    %dma_start3A_372 = tpu.memref_slice %arg7[%dma_start3A_371] : memref<8736xf32, #tpu.memory_space<vmem>> -> memref<112xf32, #tpu.memory_space<vmem>>
    %dma_start3A_373 = arith.constant 6832 : i32
    %dma_start3A_374 = tpu.memref_slice %arg6[%dma_start3A_373] : memref<8736xi32, #tpu.memory_space<vmem>> -> memref<112xi32, #tpu.memory_space<vmem>>
    %dma_start3A_375 = arith.constant 0 : i32
    %dma_start3A_376 = tpu.memref_slice %arg2[%dma_start3A_375] : memref<22633344xf32, #tpu.memory_space<hbm>> -> memref<22633344xf32, #tpu.memory_space<hbm>>
    tpu.enqueue_indirect_dma source(%dma_start3A_376 : memref<22633344xf32, #tpu.memory_space<hbm>>) target(%dma_start3A_372 : memref<112xf32, #tpu.memory_space<vmem>>) offsets(%dma_start3A_374 : memref<112xi32, #tpu.memory_space<vmem>>) semaphore(%arg8 : memref<!tpu.dma_semaphore, #tpu.memory_space<semaphore_mem>>)
    %dma_start3A_377 = arith.constant 6944 : i32
    %dma_start3A_378 = tpu.memref_slice %arg7[%dma_start3A_377] : memref<8736xf32, #tpu.memory_space<vmem>> -> memref<112xf32, #tpu.memory_space<vmem>>
    %dma_start3A_379 = arith.constant 6944 : i32
    %dma_start3A_380 = tpu.memref_slice %arg6[%dma_start3A_379] : memref<8736xi32, #tpu.memory_space<vmem>> -> memref<112xi32, #tpu.memory_space<vmem>>
    %dma_start3A_381 = arith.constant 0 : i32
    %dma_start3A_382 = tpu.memref_slice %arg2[%dma_start3A_381] : memref<22633344xf32, #tpu.memory_space<hbm>> -> memref<22633344xf32, #tpu.memory_space<hbm>>
    tpu.enqueue_indirect_dma source(%dma_start3A_382 : memref<22633344xf32, #tpu.memory_space<hbm>>) target(%dma_start3A_378 : memref<112xf32, #tpu.memory_space<vmem>>) offsets(%dma_start3A_380 : memref<112xi32, #tpu.memory_space<vmem>>) semaphore(%arg8 : memref<!tpu.dma_semaphore, #tpu.memory_space<semaphore_mem>>)
    %dma_start3A_383 = arith.constant 7056 : i32
    %dma_start3A_384 = tpu.memref_slice %arg7[%dma_start3A_383] : memref<8736xf32, #tpu.memory_space<vmem>> -> memref<112xf32, #tpu.memory_space<vmem>>
    %dma_start3A_385 = arith.constant 7056 : i32
    %dma_start3A_386 = tpu.memref_slice %arg6[%dma_start3A_385] : memref<8736xi32, #tpu.memory_space<vmem>> -> memref<112xi32, #tpu.memory_space<vmem>>
    %dma_start3A_387 = arith.constant 0 : i32
    %dma_start3A_388 = tpu.memref_slice %arg2[%dma_start3A_387] : memref<22633344xf32, #tpu.memory_space<hbm>> -> memref<22633344xf32, #tpu.memory_space<hbm>>
    tpu.enqueue_indirect_dma source(%dma_start3A_388 : memref<22633344xf32, #tpu.memory_space<hbm>>) target(%dma_start3A_384 : memref<112xf32, #tpu.memory_space<vmem>>) offsets(%dma_start3A_386 : memref<112xi32, #tpu.memory_space<vmem>>) semaphore(%arg8 : memref<!tpu.dma_semaphore, #tpu.memory_space<semaphore_mem>>)
    %dma_start3A_389 = arith.constant 7168 : i32
    %dma_start3A_390 = tpu.memref_slice %arg7[%dma_start3A_389] : memref<8736xf32, #tpu.memory_space<vmem>> -> memref<112xf32, #tpu.memory_space<vmem>>
    %dma_start3A_391 = arith.constant 7168 : i32
    %dma_start3A_392 = tpu.memref_slice %arg6[%dma_start3A_391] : memref<8736xi32, #tpu.memory_space<vmem>> -> memref<112xi32, #tpu.memory_space<vmem>>
    %dma_start3A_393 = arith.constant 0 : i32
    %dma_start3A_394 = tpu.memref_slice %arg2[%dma_start3A_393] : memref<22633344xf32, #tpu.memory_space<hbm>> -> memref<22633344xf32, #tpu.memory_space<hbm>>
    tpu.enqueue_indirect_dma source(%dma_start3A_394 : memref<22633344xf32, #tpu.memory_space<hbm>>) target(%dma_start3A_390 : memref<112xf32, #tpu.memory_space<vmem>>) offsets(%dma_start3A_392 : memref<112xi32, #tpu.memory_space<vmem>>) semaphore(%arg8 : memref<!tpu.dma_semaphore, #tpu.memory_space<semaphore_mem>>)
    %dma_start3A_395 = arith.constant 7280 : i32
    %dma_start3A_396 = tpu.memref_slice %arg7[%dma_start3A_395] : memref<8736xf32, #tpu.memory_space<vmem>> -> memref<112xf32, #tpu.memory_space<vmem>>
    %dma_start3A_397 = arith.constant 7280 : i32
    %dma_start3A_398 = tpu.memref_slice %arg6[%dma_start3A_397] : memref<8736xi32, #tpu.memory_space<vmem>> -> memref<112xi32, #tpu.memory_space<vmem>>
    %dma_start3A_399 = arith.constant 0 : i32
    %dma_start3A_400 = tpu.memref_slice %arg2[%dma_start3A_399] : memref<22633344xf32, #tpu.memory_space<hbm>> -> memref<22633344xf32, #tpu.memory_space<hbm>>
    tpu.enqueue_indirect_dma source(%dma_start3A_400 : memref<22633344xf32, #tpu.memory_space<hbm>>) target(%dma_start3A_396 : memref<112xf32, #tpu.memory_space<vmem>>) offsets(%dma_start3A_398 : memref<112xi32, #tpu.memory_space<vmem>>) semaphore(%arg8 : memref<!tpu.dma_semaphore, #tpu.memory_space<semaphore_mem>>)
    %dma_start3A_401 = arith.constant 7392 : i32
    %dma_start3A_402 = tpu.memref_slice %arg7[%dma_start3A_401] : memref<8736xf32, #tpu.memory_space<vmem>> -> memref<112xf32, #tpu.memory_space<vmem>>
    %dma_start3A_403 = arith.constant 7392 : i32
    %dma_start3A_404 = tpu.memref_slice %arg6[%dma_start3A_403] : memref<8736xi32, #tpu.memory_space<vmem>> -> memref<112xi32, #tpu.memory_space<vmem>>
    %dma_start3A_405 = arith.constant 0 : i32
    %dma_start3A_406 = tpu.memref_slice %arg2[%dma_start3A_405] : memref<22633344xf32, #tpu.memory_space<hbm>> -> memref<22633344xf32, #tpu.memory_space<hbm>>
    tpu.enqueue_indirect_dma source(%dma_start3A_406 : memref<22633344xf32, #tpu.memory_space<hbm>>) target(%dma_start3A_402 : memref<112xf32, #tpu.memory_space<vmem>>) offsets(%dma_start3A_404 : memref<112xi32, #tpu.memory_space<vmem>>) semaphore(%arg8 : memref<!tpu.dma_semaphore, #tpu.memory_space<semaphore_mem>>)
    %dma_start3A_407 = arith.constant 7504 : i32
    %dma_start3A_408 = tpu.memref_slice %arg7[%dma_start3A_407] : memref<8736xf32, #tpu.memory_space<vmem>> -> memref<112xf32, #tpu.memory_space<vmem>>
    %dma_start3A_409 = arith.constant 7504 : i32
    %dma_start3A_410 = tpu.memref_slice %arg6[%dma_start3A_409] : memref<8736xi32, #tpu.memory_space<vmem>> -> memref<112xi32, #tpu.memory_space<vmem>>
    %dma_start3A_411 = arith.constant 0 : i32
    %dma_start3A_412 = tpu.memref_slice %arg2[%dma_start3A_411] : memref<22633344xf32, #tpu.memory_space<hbm>> -> memref<22633344xf32, #tpu.memory_space<hbm>>
    tpu.enqueue_indirect_dma source(%dma_start3A_412 : memref<22633344xf32, #tpu.memory_space<hbm>>) target(%dma_start3A_408 : memref<112xf32, #tpu.memory_space<vmem>>) offsets(%dma_start3A_410 : memref<112xi32, #tpu.memory_space<vmem>>) semaphore(%arg8 : memref<!tpu.dma_semaphore, #tpu.memory_space<semaphore_mem>>)
    %dma_start3A_413 = arith.constant 7616 : i32
    %dma_start3A_414 = tpu.memref_slice %arg7[%dma_start3A_413] : memref<8736xf32, #tpu.memory_space<vmem>> -> memref<112xf32, #tpu.memory_space<vmem>>
    %dma_start3A_415 = arith.constant 7616 : i32
    %dma_start3A_416 = tpu.memref_slice %arg6[%dma_start3A_415] : memref<8736xi32, #tpu.memory_space<vmem>> -> memref<112xi32, #tpu.memory_space<vmem>>
    %dma_start3A_417 = arith.constant 0 : i32
    %dma_start3A_418 = tpu.memref_slice %arg2[%dma_start3A_417] : memref<22633344xf32, #tpu.memory_space<hbm>> -> memref<22633344xf32, #tpu.memory_space<hbm>>
    tpu.enqueue_indirect_dma source(%dma_start3A_418 : memref<22633344xf32, #tpu.memory_space<hbm>>) target(%dma_start3A_414 : memref<112xf32, #tpu.memory_space<vmem>>) offsets(%dma_start3A_416 : memref<112xi32, #tpu.memory_space<vmem>>) semaphore(%arg8 : memref<!tpu.dma_semaphore, #tpu.memory_space<semaphore_mem>>)
    %dma_start3A_419 = arith.constant 7728 : i32
    %dma_start3A_420 = tpu.memref_slice %arg7[%dma_start3A_419] : memref<8736xf32, #tpu.memory_space<vmem>> -> memref<112xf32, #tpu.memory_space<vmem>>
    %dma_start3A_421 = arith.constant 7728 : i32
    %dma_start3A_422 = tpu.memref_slice %arg6[%dma_start3A_421] : memref<8736xi32, #tpu.memory_space<vmem>> -> memref<112xi32, #tpu.memory_space<vmem>>
    %dma_start3A_423 = arith.constant 0 : i32
    %dma_start3A_424 = tpu.memref_slice %arg2[%dma_start3A_423] : memref<22633344xf32, #tpu.memory_space<hbm>> -> memref<22633344xf32, #tpu.memory_space<hbm>>
    tpu.enqueue_indirect_dma source(%dma_start3A_424 : memref<22633344xf32, #tpu.memory_space<hbm>>) target(%dma_start3A_420 : memref<112xf32, #tpu.memory_space<vmem>>) offsets(%dma_start3A_422 : memref<112xi32, #tpu.memory_space<vmem>>) semaphore(%arg8 : memref<!tpu.dma_semaphore, #tpu.memory_space<semaphore_mem>>)
    %dma_start3A_425 = arith.constant 7840 : i32
    %dma_start3A_426 = tpu.memref_slice %arg7[%dma_start3A_425] : memref<8736xf32, #tpu.memory_space<vmem>> -> memref<112xf32, #tpu.memory_space<vmem>>
    %dma_start3A_427 = arith.constant 7840 : i32
    %dma_start3A_428 = tpu.memref_slice %arg6[%dma_start3A_427] : memref<8736xi32, #tpu.memory_space<vmem>> -> memref<112xi32, #tpu.memory_space<vmem>>
    %dma_start3A_429 = arith.constant 0 : i32
    %dma_start3A_430 = tpu.memref_slice %arg2[%dma_start3A_429] : memref<22633344xf32, #tpu.memory_space<hbm>> -> memref<22633344xf32, #tpu.memory_space<hbm>>
    tpu.enqueue_indirect_dma source(%dma_start3A_430 : memref<22633344xf32, #tpu.memory_space<hbm>>) target(%dma_start3A_426 : memref<112xf32, #tpu.memory_space<vmem>>) offsets(%dma_start3A_428 : memref<112xi32, #tpu.memory_space<vmem>>) semaphore(%arg8 : memref<!tpu.dma_semaphore, #tpu.memory_space<semaphore_mem>>)
    %dma_start3A_431 = arith.constant 7952 : i32
    %dma_start3A_432 = tpu.memref_slice %arg7[%dma_start3A_431] : memref<8736xf32, #tpu.memory_space<vmem>> -> memref<112xf32, #tpu.memory_space<vmem>>
    %dma_start3A_433 = arith.constant 7952 : i32
    %dma_start3A_434 = tpu.memref_slice %arg6[%dma_start3A_433] : memref<8736xi32, #tpu.memory_space<vmem>> -> memref<112xi32, #tpu.memory_space<vmem>>
    %dma_start3A_435 = arith.constant 0 : i32
    %dma_start3A_436 = tpu.memref_slice %arg2[%dma_start3A_435] : memref<22633344xf32, #tpu.memory_space<hbm>> -> memref<22633344xf32, #tpu.memory_space<hbm>>
    tpu.enqueue_indirect_dma source(%dma_start3A_436 : memref<22633344xf32, #tpu.memory_space<hbm>>) target(%dma_start3A_432 : memref<112xf32, #tpu.memory_space<vmem>>) offsets(%dma_start3A_434 : memref<112xi32, #tpu.memory_space<vmem>>) semaphore(%arg8 : memref<!tpu.dma_semaphore, #tpu.memory_space<semaphore_mem>>)
    %dma_start3A_437 = arith.constant 8064 : i32
    %dma_start3A_438 = tpu.memref_slice %arg7[%dma_start3A_437] : memref<8736xf32, #tpu.memory_space<vmem>> -> memref<112xf32, #tpu.memory_space<vmem>>
    %dma_start3A_439 = arith.constant 8064 : i32
    %dma_start3A_440 = tpu.memref_slice %arg6[%dma_start3A_439] : memref<8736xi32, #tpu.memory_space<vmem>> -> memref<112xi32, #tpu.memory_space<vmem>>
    %dma_start3A_441 = arith.constant 0 : i32
    %dma_start3A_442 = tpu.memref_slice %arg2[%dma_start3A_441] : memref<22633344xf32, #tpu.memory_space<hbm>> -> memref<22633344xf32, #tpu.memory_space<hbm>>
    tpu.enqueue_indirect_dma source(%dma_start3A_442 : memref<22633344xf32, #tpu.memory_space<hbm>>) target(%dma_start3A_438 : memref<112xf32, #tpu.memory_space<vmem>>) offsets(%dma_start3A_440 : memref<112xi32, #tpu.memory_space<vmem>>) semaphore(%arg8 : memref<!tpu.dma_semaphore, #tpu.memory_space<semaphore_mem>>)
    %dma_start3A_443 = arith.constant 8176 : i32
    %dma_start3A_444 = tpu.memref_slice %arg7[%dma_start3A_443] : memref<8736xf32, #tpu.memory_space<vmem>> -> memref<112xf32, #tpu.memory_space<vmem>>
    %dma_start3A_445 = arith.constant 8176 : i32
    %dma_start3A_446 = tpu.memref_slice %arg6[%dma_start3A_445] : memref<8736xi32, #tpu.memory_space<vmem>> -> memref<112xi32, #tpu.memory_space<vmem>>
    %dma_start3A_447 = arith.constant 0 : i32
    %dma_start3A_448 = tpu.memref_slice %arg2[%dma_start3A_447] : memref<22633344xf32, #tpu.memory_space<hbm>> -> memref<22633344xf32, #tpu.memory_space<hbm>>
    tpu.enqueue_indirect_dma source(%dma_start3A_448 : memref<22633344xf32, #tpu.memory_space<hbm>>) target(%dma_start3A_444 : memref<112xf32, #tpu.memory_space<vmem>>) offsets(%dma_start3A_446 : memref<112xi32, #tpu.memory_space<vmem>>) semaphore(%arg8 : memref<!tpu.dma_semaphore, #tpu.memory_space<semaphore_mem>>)
    %dma_start3A_449 = arith.constant 8288 : i32
    %dma_start3A_450 = tpu.memref_slice %arg7[%dma_start3A_449] : memref<8736xf32, #tpu.memory_space<vmem>> -> memref<112xf32, #tpu.memory_space<vmem>>
    %dma_start3A_451 = arith.constant 8288 : i32
    %dma_start3A_452 = tpu.memref_slice %arg6[%dma_start3A_451] : memref<8736xi32, #tpu.memory_space<vmem>> -> memref<112xi32, #tpu.memory_space<vmem>>
    %dma_start3A_453 = arith.constant 0 : i32
    %dma_start3A_454 = tpu.memref_slice %arg2[%dma_start3A_453] : memref<22633344xf32, #tpu.memory_space<hbm>> -> memref<22633344xf32, #tpu.memory_space<hbm>>
    tpu.enqueue_indirect_dma source(%dma_start3A_454 : memref<22633344xf32, #tpu.memory_space<hbm>>) target(%dma_start3A_450 : memref<112xf32, #tpu.memory_space<vmem>>) offsets(%dma_start3A_452 : memref<112xi32, #tpu.memory_space<vmem>>) semaphore(%arg8 : memref<!tpu.dma_semaphore, #tpu.memory_space<semaphore_mem>>)
    %dma_start3A_455 = arith.constant 8400 : i32
    %dma_start3A_456 = tpu.memref_slice %arg7[%dma_start3A_455] : memref<8736xf32, #tpu.memory_space<vmem>> -> memref<112xf32, #tpu.memory_space<vmem>>
    %dma_start3A_457 = arith.constant 8400 : i32
    %dma_start3A_458 = tpu.memref_slice %arg6[%dma_start3A_457] : memref<8736xi32, #tpu.memory_space<vmem>> -> memref<112xi32, #tpu.memory_space<vmem>>
    %dma_start3A_459 = arith.constant 0 : i32
    %dma_start3A_460 = tpu.memref_slice %arg2[%dma_start3A_459] : memref<22633344xf32, #tpu.memory_space<hbm>> -> memref<22633344xf32, #tpu.memory_space<hbm>>
    tpu.enqueue_indirect_dma source(%dma_start3A_460 : memref<22633344xf32, #tpu.memory_space<hbm>>) target(%dma_start3A_456 : memref<112xf32, #tpu.memory_space<vmem>>) offsets(%dma_start3A_458 : memref<112xi32, #tpu.memory_space<vmem>>) semaphore(%arg8 : memref<!tpu.dma_semaphore, #tpu.memory_space<semaphore_mem>>)
    %dma_start3A_461 = arith.constant 8512 : i32
    %dma_start3A_462 = tpu.memref_slice %arg7[%dma_start3A_461] : memref<8736xf32, #tpu.memory_space<vmem>> -> memref<112xf32, #tpu.memory_space<vmem>>
    %dma_start3A_463 = arith.constant 8512 : i32
    %dma_start3A_464 = tpu.memref_slice %arg6[%dma_start3A_463] : memref<8736xi32, #tpu.memory_space<vmem>> -> memref<112xi32, #tpu.memory_space<vmem>>
    %dma_start3A_465 = arith.constant 0 : i32
    %dma_start3A_466 = tpu.memref_slice %arg2[%dma_start3A_465] : memref<22633344xf32, #tpu.memory_space<hbm>> -> memref<22633344xf32, #tpu.memory_space<hbm>>
    tpu.enqueue_indirect_dma source(%dma_start3A_466 : memref<22633344xf32, #tpu.memory_space<hbm>>) target(%dma_start3A_462 : memref<112xf32, #tpu.memory_space<vmem>>) offsets(%dma_start3A_464 : memref<112xi32, #tpu.memory_space<vmem>>) semaphore(%arg8 : memref<!tpu.dma_semaphore, #tpu.memory_space<semaphore_mem>>)
    %dma_start3A_467 = arith.constant 8624 : i32
    %dma_start3A_468 = tpu.memref_slice %arg7[%dma_start3A_467] : memref<8736xf32, #tpu.memory_space<vmem>> -> memref<112xf32, #tpu.memory_space<vmem>>
    %dma_start3A_469 = arith.constant 8624 : i32
    %dma_start3A_470 = tpu.memref_slice %arg6[%dma_start3A_469] : memref<8736xi32, #tpu.memory_space<vmem>> -> memref<112xi32, #tpu.memory_space<vmem>>
    %dma_start3A_471 = arith.constant 0 : i32
    %dma_start3A_472 = tpu.memref_slice %arg2[%dma_start3A_471] : memref<22633344xf32, #tpu.memory_space<hbm>> -> memref<22633344xf32, #tpu.memory_space<hbm>>
    tpu.enqueue_indirect_dma source(%dma_start3A_472 : memref<22633344xf32, #tpu.memory_space<hbm>>) target(%dma_start3A_468 : memref<112xf32, #tpu.memory_space<vmem>>) offsets(%dma_start3A_470 : memref<112xi32, #tpu.memory_space<vmem>>) semaphore(%arg8 : memref<!tpu.dma_semaphore, #tpu.memory_space<semaphore_mem>>)
    %dma_wait3A = arith.constant 0 : i32
    %dma_wait3A_473 = tpu.memref_slice %arg7[%dma_wait3A] : memref<8736xf32, #tpu.memory_space<vmem>> -> memref<112xf32, #tpu.memory_space<vmem>>
    %dma_wait3A_474 = arith.constant 0 : i32
    %dma_wait3A_475 = tpu.memref_slice %arg6[%dma_wait3A_474] : memref<8736xi32, #tpu.memory_space<vmem>> -> memref<112xi32, #tpu.memory_space<vmem>>
    %dma_wait3A_476 = arith.constant 0 : i32
    %dma_wait3A_477 = tpu.memref_slice %arg2[%dma_wait3A_476] : memref<22633344xf32, #tpu.memory_space<hbm>> -> memref<22633344xf32, #tpu.memory_space<hbm>>
    tpu.wait_indirect_dma semaphore(%arg8 : memref<!tpu.dma_semaphore, #tpu.memory_space<semaphore_mem>>) src(%dma_wait3A_477 : memref<22633344xf32, #tpu.memory_space<hbm>>) dst(%dma_wait3A_473 : memref<112xf32, #tpu.memory_space<vmem>>)
    %dma_wait3A_478 = arith.constant 112 : i32
    %dma_wait3A_479 = tpu.memref_slice %arg7[%dma_wait3A_478] : memref<8736xf32, #tpu.memory_space<vmem>> -> memref<112xf32, #tpu.memory_space<vmem>>
    %dma_wait3A_480 = arith.constant 112 : i32
    %dma_wait3A_481 = tpu.memref_slice %arg6[%dma_wait3A_480] : memref<8736xi32, #tpu.memory_space<vmem>> -> memref<112xi32, #tpu.memory_space<vmem>>
    %dma_wait3A_482 = arith.constant 0 : i32
    %dma_wait3A_483 = tpu.memref_slice %arg2[%dma_wait3A_482] : memref<22633344xf32, #tpu.memory_space<hbm>> -> memref<22633344xf32, #tpu.memory_space<hbm>>
    tpu.wait_indirect_dma semaphore(%arg8 : memref<!tpu.dma_semaphore, #tpu.memory_space<semaphore_mem>>) src(%dma_wait3A_483 : memref<22633344xf32, #tpu.memory_space<hbm>>) dst(%dma_wait3A_479 : memref<112xf32, #tpu.memory_space<vmem>>)
    %dma_wait3A_484 = arith.constant 224 : i32
    %dma_wait3A_485 = tpu.memref_slice %arg7[%dma_wait3A_484] : memref<8736xf32, #tpu.memory_space<vmem>> -> memref<112xf32, #tpu.memory_space<vmem>>
    %dma_wait3A_486 = arith.constant 224 : i32
    %dma_wait3A_487 = tpu.memref_slice %arg6[%dma_wait3A_486] : memref<8736xi32, #tpu.memory_space<vmem>> -> memref<112xi32, #tpu.memory_space<vmem>>
    %dma_wait3A_488 = arith.constant 0 : i32
    %dma_wait3A_489 = tpu.memref_slice %arg2[%dma_wait3A_488] : memref<22633344xf32, #tpu.memory_space<hbm>> -> memref<22633344xf32, #tpu.memory_space<hbm>>
    tpu.wait_indirect_dma semaphore(%arg8 : memref<!tpu.dma_semaphore, #tpu.memory_space<semaphore_mem>>) src(%dma_wait3A_489 : memref<22633344xf32, #tpu.memory_space<hbm>>) dst(%dma_wait3A_485 : memref<112xf32, #tpu.memory_space<vmem>>)
    %dma_wait3A_490 = arith.constant 336 : i32
    %dma_wait3A_491 = tpu.memref_slice %arg7[%dma_wait3A_490] : memref<8736xf32, #tpu.memory_space<vmem>> -> memref<112xf32, #tpu.memory_space<vmem>>
    %dma_wait3A_492 = arith.constant 336 : i32
    %dma_wait3A_493 = tpu.memref_slice %arg6[%dma_wait3A_492] : memref<8736xi32, #tpu.memory_space<vmem>> -> memref<112xi32, #tpu.memory_space<vmem>>
    %dma_wait3A_494 = arith.constant 0 : i32
    %dma_wait3A_495 = tpu.memref_slice %arg2[%dma_wait3A_494] : memref<22633344xf32, #tpu.memory_space<hbm>> -> memref<22633344xf32, #tpu.memory_space<hbm>>
    tpu.wait_indirect_dma semaphore(%arg8 : memref<!tpu.dma_semaphore, #tpu.memory_space<semaphore_mem>>) src(%dma_wait3A_495 : memref<22633344xf32, #tpu.memory_space<hbm>>) dst(%dma_wait3A_491 : memref<112xf32, #tpu.memory_space<vmem>>)
    %dma_wait3A_496 = arith.constant 448 : i32
    %dma_wait3A_497 = tpu.memref_slice %arg7[%dma_wait3A_496] : memref<8736xf32, #tpu.memory_space<vmem>> -> memref<112xf32, #tpu.memory_space<vmem>>
    %dma_wait3A_498 = arith.constant 448 : i32
    %dma_wait3A_499 = tpu.memref_slice %arg6[%dma_wait3A_498] : memref<8736xi32, #tpu.memory_space<vmem>> -> memref<112xi32, #tpu.memory_space<vmem>>
    %dma_wait3A_500 = arith.constant 0 : i32
    %dma_wait3A_501 = tpu.memref_slice %arg2[%dma_wait3A_500] : memref<22633344xf32, #tpu.memory_space<hbm>> -> memref<22633344xf32, #tpu.memory_space<hbm>>
    tpu.wait_indirect_dma semaphore(%arg8 : memref<!tpu.dma_semaphore, #tpu.memory_space<semaphore_mem>>) src(%dma_wait3A_501 : memref<22633344xf32, #tpu.memory_space<hbm>>) dst(%dma_wait3A_497 : memref<112xf32, #tpu.memory_space<vmem>>)
    %dma_wait3A_502 = arith.constant 560 : i32
    %dma_wait3A_503 = tpu.memref_slice %arg7[%dma_wait3A_502] : memref<8736xf32, #tpu.memory_space<vmem>> -> memref<112xf32, #tpu.memory_space<vmem>>
    %dma_wait3A_504 = arith.constant 560 : i32
    %dma_wait3A_505 = tpu.memref_slice %arg6[%dma_wait3A_504] : memref<8736xi32, #tpu.memory_space<vmem>> -> memref<112xi32, #tpu.memory_space<vmem>>
    %dma_wait3A_506 = arith.constant 0 : i32
    %dma_wait3A_507 = tpu.memref_slice %arg2[%dma_wait3A_506] : memref<22633344xf32, #tpu.memory_space<hbm>> -> memref<22633344xf32, #tpu.memory_space<hbm>>
    tpu.wait_indirect_dma semaphore(%arg8 : memref<!tpu.dma_semaphore, #tpu.memory_space<semaphore_mem>>) src(%dma_wait3A_507 : memref<22633344xf32, #tpu.memory_space<hbm>>) dst(%dma_wait3A_503 : memref<112xf32, #tpu.memory_space<vmem>>)
    %dma_wait3A_508 = arith.constant 672 : i32
    %dma_wait3A_509 = tpu.memref_slice %arg7[%dma_wait3A_508] : memref<8736xf32, #tpu.memory_space<vmem>> -> memref<112xf32, #tpu.memory_space<vmem>>
    %dma_wait3A_510 = arith.constant 672 : i32
    %dma_wait3A_511 = tpu.memref_slice %arg6[%dma_wait3A_510] : memref<8736xi32, #tpu.memory_space<vmem>> -> memref<112xi32, #tpu.memory_space<vmem>>
    %dma_wait3A_512 = arith.constant 0 : i32
    %dma_wait3A_513 = tpu.memref_slice %arg2[%dma_wait3A_512] : memref<22633344xf32, #tpu.memory_space<hbm>> -> memref<22633344xf32, #tpu.memory_space<hbm>>
    tpu.wait_indirect_dma semaphore(%arg8 : memref<!tpu.dma_semaphore, #tpu.memory_space<semaphore_mem>>) src(%dma_wait3A_513 : memref<22633344xf32, #tpu.memory_space<hbm>>) dst(%dma_wait3A_509 : memref<112xf32, #tpu.memory_space<vmem>>)
    %dma_wait3A_514 = arith.constant 784 : i32
    %dma_wait3A_515 = tpu.memref_slice %arg7[%dma_wait3A_514] : memref<8736xf32, #tpu.memory_space<vmem>> -> memref<112xf32, #tpu.memory_space<vmem>>
    %dma_wait3A_516 = arith.constant 784 : i32
    %dma_wait3A_517 = tpu.memref_slice %arg6[%dma_wait3A_516] : memref<8736xi32, #tpu.memory_space<vmem>> -> memref<112xi32, #tpu.memory_space<vmem>>
    %dma_wait3A_518 = arith.constant 0 : i32
    %dma_wait3A_519 = tpu.memref_slice %arg2[%dma_wait3A_518] : memref<22633344xf32, #tpu.memory_space<hbm>> -> memref<22633344xf32, #tpu.memory_space<hbm>>
    tpu.wait_indirect_dma semaphore(%arg8 : memref<!tpu.dma_semaphore, #tpu.memory_space<semaphore_mem>>) src(%dma_wait3A_519 : memref<22633344xf32, #tpu.memory_space<hbm>>) dst(%dma_wait3A_515 : memref<112xf32, #tpu.memory_space<vmem>>)
    %dma_wait3A_520 = arith.constant 896 : i32
    %dma_wait3A_521 = tpu.memref_slice %arg7[%dma_wait3A_520] : memref<8736xf32, #tpu.memory_space<vmem>> -> memref<112xf32, #tpu.memory_space<vmem>>
    %dma_wait3A_522 = arith.constant 896 : i32
    %dma_wait3A_523 = tpu.memref_slice %arg6[%dma_wait3A_522] : memref<8736xi32, #tpu.memory_space<vmem>> -> memref<112xi32, #tpu.memory_space<vmem>>
    %dma_wait3A_524 = arith.constant 0 : i32
    %dma_wait3A_525 = tpu.memref_slice %arg2[%dma_wait3A_524] : memref<22633344xf32, #tpu.memory_space<hbm>> -> memref<22633344xf32, #tpu.memory_space<hbm>>
    tpu.wait_indirect_dma semaphore(%arg8 : memref<!tpu.dma_semaphore, #tpu.memory_space<semaphore_mem>>) src(%dma_wait3A_525 : memref<22633344xf32, #tpu.memory_space<hbm>>) dst(%dma_wait3A_521 : memref<112xf32, #tpu.memory_space<vmem>>)
    %dma_wait3A_526 = arith.constant 1008 : i32
    %dma_wait3A_527 = tpu.memref_slice %arg7[%dma_wait3A_526] : memref<8736xf32, #tpu.memory_space<vmem>> -> memref<112xf32, #tpu.memory_space<vmem>>
    %dma_wait3A_528 = arith.constant 1008 : i32
    %dma_wait3A_529 = tpu.memref_slice %arg6[%dma_wait3A_528] : memref<8736xi32, #tpu.memory_space<vmem>> -> memref<112xi32, #tpu.memory_space<vmem>>
    %dma_wait3A_530 = arith.constant 0 : i32
    %dma_wait3A_531 = tpu.memref_slice %arg2[%dma_wait3A_530] : memref<22633344xf32, #tpu.memory_space<hbm>> -> memref<22633344xf32, #tpu.memory_space<hbm>>
    tpu.wait_indirect_dma semaphore(%arg8 : memref<!tpu.dma_semaphore, #tpu.memory_space<semaphore_mem>>) src(%dma_wait3A_531 : memref<22633344xf32, #tpu.memory_space<hbm>>) dst(%dma_wait3A_527 : memref<112xf32, #tpu.memory_space<vmem>>)
    %dma_wait3A_532 = arith.constant 1120 : i32
    %dma_wait3A_533 = tpu.memref_slice %arg7[%dma_wait3A_532] : memref<8736xf32, #tpu.memory_space<vmem>> -> memref<112xf32, #tpu.memory_space<vmem>>
    %dma_wait3A_534 = arith.constant 1120 : i32
    %dma_wait3A_535 = tpu.memref_slice %arg6[%dma_wait3A_534] : memref<8736xi32, #tpu.memory_space<vmem>> -> memref<112xi32, #tpu.memory_space<vmem>>
    %dma_wait3A_536 = arith.constant 0 : i32
    %dma_wait3A_537 = tpu.memref_slice %arg2[%dma_wait3A_536] : memref<22633344xf32, #tpu.memory_space<hbm>> -> memref<22633344xf32, #tpu.memory_space<hbm>>
    tpu.wait_indirect_dma semaphore(%arg8 : memref<!tpu.dma_semaphore, #tpu.memory_space<semaphore_mem>>) src(%dma_wait3A_537 : memref<22633344xf32, #tpu.memory_space<hbm>>) dst(%dma_wait3A_533 : memref<112xf32, #tpu.memory_space<vmem>>)
    %dma_wait3A_538 = arith.constant 1232 : i32
    %dma_wait3A_539 = tpu.memref_slice %arg7[%dma_wait3A_538] : memref<8736xf32, #tpu.memory_space<vmem>> -> memref<112xf32, #tpu.memory_space<vmem>>
    %dma_wait3A_540 = arith.constant 1232 : i32
    %dma_wait3A_541 = tpu.memref_slice %arg6[%dma_wait3A_540] : memref<8736xi32, #tpu.memory_space<vmem>> -> memref<112xi32, #tpu.memory_space<vmem>>
    %dma_wait3A_542 = arith.constant 0 : i32
    %dma_wait3A_543 = tpu.memref_slice %arg2[%dma_wait3A_542] : memref<22633344xf32, #tpu.memory_space<hbm>> -> memref<22633344xf32, #tpu.memory_space<hbm>>
    tpu.wait_indirect_dma semaphore(%arg8 : memref<!tpu.dma_semaphore, #tpu.memory_space<semaphore_mem>>) src(%dma_wait3A_543 : memref<22633344xf32, #tpu.memory_space<hbm>>) dst(%dma_wait3A_539 : memref<112xf32, #tpu.memory_space<vmem>>)
    %dma_wait3A_544 = arith.constant 1344 : i32
    %dma_wait3A_545 = tpu.memref_slice %arg7[%dma_wait3A_544] : memref<8736xf32, #tpu.memory_space<vmem>> -> memref<112xf32, #tpu.memory_space<vmem>>
    %dma_wait3A_546 = arith.constant 1344 : i32
    %dma_wait3A_547 = tpu.memref_slice %arg6[%dma_wait3A_546] : memref<8736xi32, #tpu.memory_space<vmem>> -> memref<112xi32, #tpu.memory_space<vmem>>
    %dma_wait3A_548 = arith.constant 0 : i32
    %dma_wait3A_549 = tpu.memref_slice %arg2[%dma_wait3A_548] : memref<22633344xf32, #tpu.memory_space<hbm>> -> memref<22633344xf32, #tpu.memory_space<hbm>>
    tpu.wait_indirect_dma semaphore(%arg8 : memref<!tpu.dma_semaphore, #tpu.memory_space<semaphore_mem>>) src(%dma_wait3A_549 : memref<22633344xf32, #tpu.memory_space<hbm>>) dst(%dma_wait3A_545 : memref<112xf32, #tpu.memory_space<vmem>>)
    %dma_wait3A_550 = arith.constant 1456 : i32
    %dma_wait3A_551 = tpu.memref_slice %arg7[%dma_wait3A_550] : memref<8736xf32, #tpu.memory_space<vmem>> -> memref<112xf32, #tpu.memory_space<vmem>>
    %dma_wait3A_552 = arith.constant 1456 : i32
    %dma_wait3A_553 = tpu.memref_slice %arg6[%dma_wait3A_552] : memref<8736xi32, #tpu.memory_space<vmem>> -> memref<112xi32, #tpu.memory_space<vmem>>
    %dma_wait3A_554 = arith.constant 0 : i32
    %dma_wait3A_555 = tpu.memref_slice %arg2[%dma_wait3A_554] : memref<22633344xf32, #tpu.memory_space<hbm>> -> memref<22633344xf32, #tpu.memory_space<hbm>>
    tpu.wait_indirect_dma semaphore(%arg8 : memref<!tpu.dma_semaphore, #tpu.memory_space<semaphore_mem>>) src(%dma_wait3A_555 : memref<22633344xf32, #tpu.memory_space<hbm>>) dst(%dma_wait3A_551 : memref<112xf32, #tpu.memory_space<vmem>>)
    %dma_wait3A_556 = arith.constant 1568 : i32
    %dma_wait3A_557 = tpu.memref_slice %arg7[%dma_wait3A_556] : memref<8736xf32, #tpu.memory_space<vmem>> -> memref<112xf32, #tpu.memory_space<vmem>>
    %dma_wait3A_558 = arith.constant 1568 : i32
    %dma_wait3A_559 = tpu.memref_slice %arg6[%dma_wait3A_558] : memref<8736xi32, #tpu.memory_space<vmem>> -> memref<112xi32, #tpu.memory_space<vmem>>
    %dma_wait3A_560 = arith.constant 0 : i32
    %dma_wait3A_561 = tpu.memref_slice %arg2[%dma_wait3A_560] : memref<22633344xf32, #tpu.memory_space<hbm>> -> memref<22633344xf32, #tpu.memory_space<hbm>>
    tpu.wait_indirect_dma semaphore(%arg8 : memref<!tpu.dma_semaphore, #tpu.memory_space<semaphore_mem>>) src(%dma_wait3A_561 : memref<22633344xf32, #tpu.memory_space<hbm>>) dst(%dma_wait3A_557 : memref<112xf32, #tpu.memory_space<vmem>>)
    %dma_wait3A_562 = arith.constant 1680 : i32
    %dma_wait3A_563 = tpu.memref_slice %arg7[%dma_wait3A_562] : memref<8736xf32, #tpu.memory_space<vmem>> -> memref<112xf32, #tpu.memory_space<vmem>>
    %dma_wait3A_564 = arith.constant 1680 : i32
    %dma_wait3A_565 = tpu.memref_slice %arg6[%dma_wait3A_564] : memref<8736xi32, #tpu.memory_space<vmem>> -> memref<112xi32, #tpu.memory_space<vmem>>
    %dma_wait3A_566 = arith.constant 0 : i32
    %dma_wait3A_567 = tpu.memref_slice %arg2[%dma_wait3A_566] : memref<22633344xf32, #tpu.memory_space<hbm>> -> memref<22633344xf32, #tpu.memory_space<hbm>>
    tpu.wait_indirect_dma semaphore(%arg8 : memref<!tpu.dma_semaphore, #tpu.memory_space<semaphore_mem>>) src(%dma_wait3A_567 : memref<22633344xf32, #tpu.memory_space<hbm>>) dst(%dma_wait3A_563 : memref<112xf32, #tpu.memory_space<vmem>>)
    %dma_wait3A_568 = arith.constant 1792 : i32
    %dma_wait3A_569 = tpu.memref_slice %arg7[%dma_wait3A_568] : memref<8736xf32, #tpu.memory_space<vmem>> -> memref<112xf32, #tpu.memory_space<vmem>>
    %dma_wait3A_570 = arith.constant 1792 : i32
    %dma_wait3A_571 = tpu.memref_slice %arg6[%dma_wait3A_570] : memref<8736xi32, #tpu.memory_space<vmem>> -> memref<112xi32, #tpu.memory_space<vmem>>
    %dma_wait3A_572 = arith.constant 0 : i32
    %dma_wait3A_573 = tpu.memref_slice %arg2[%dma_wait3A_572] : memref<22633344xf32, #tpu.memory_space<hbm>> -> memref<22633344xf32, #tpu.memory_space<hbm>>
    tpu.wait_indirect_dma semaphore(%arg8 : memref<!tpu.dma_semaphore, #tpu.memory_space<semaphore_mem>>) src(%dma_wait3A_573 : memref<22633344xf32, #tpu.memory_space<hbm>>) dst(%dma_wait3A_569 : memref<112xf32, #tpu.memory_space<vmem>>)
    %dma_wait3A_574 = arith.constant 1904 : i32
    %dma_wait3A_575 = tpu.memref_slice %arg7[%dma_wait3A_574] : memref<8736xf32, #tpu.memory_space<vmem>> -> memref<112xf32, #tpu.memory_space<vmem>>
    %dma_wait3A_576 = arith.constant 1904 : i32
    %dma_wait3A_577 = tpu.memref_slice %arg6[%dma_wait3A_576] : memref<8736xi32, #tpu.memory_space<vmem>> -> memref<112xi32, #tpu.memory_space<vmem>>
    %dma_wait3A_578 = arith.constant 0 : i32
    %dma_wait3A_579 = tpu.memref_slice %arg2[%dma_wait3A_578] : memref<22633344xf32, #tpu.memory_space<hbm>> -> memref<22633344xf32, #tpu.memory_space<hbm>>
    tpu.wait_indirect_dma semaphore(%arg8 : memref<!tpu.dma_semaphore, #tpu.memory_space<semaphore_mem>>) src(%dma_wait3A_579 : memref<22633344xf32, #tpu.memory_space<hbm>>) dst(%dma_wait3A_575 : memref<112xf32, #tpu.memory_space<vmem>>)
    %dma_wait3A_580 = arith.constant 2016 : i32
    %dma_wait3A_581 = tpu.memref_slice %arg7[%dma_wait3A_580] : memref<8736xf32, #tpu.memory_space<vmem>> -> memref<112xf32, #tpu.memory_space<vmem>>
    %dma_wait3A_582 = arith.constant 2016 : i32
    %dma_wait3A_583 = tpu.memref_slice %arg6[%dma_wait3A_582] : memref<8736xi32, #tpu.memory_space<vmem>> -> memref<112xi32, #tpu.memory_space<vmem>>
    %dma_wait3A_584 = arith.constant 0 : i32
    %dma_wait3A_585 = tpu.memref_slice %arg2[%dma_wait3A_584] : memref<22633344xf32, #tpu.memory_space<hbm>> -> memref<22633344xf32, #tpu.memory_space<hbm>>
    tpu.wait_indirect_dma semaphore(%arg8 : memref<!tpu.dma_semaphore, #tpu.memory_space<semaphore_mem>>) src(%dma_wait3A_585 : memref<22633344xf32, #tpu.memory_space<hbm>>) dst(%dma_wait3A_581 : memref<112xf32, #tpu.memory_space<vmem>>)
    %dma_wait3A_586 = arith.constant 2128 : i32
    %dma_wait3A_587 = tpu.memref_slice %arg7[%dma_wait3A_586] : memref<8736xf32, #tpu.memory_space<vmem>> -> memref<112xf32, #tpu.memory_space<vmem>>
    %dma_wait3A_588 = arith.constant 2128 : i32
    %dma_wait3A_589 = tpu.memref_slice %arg6[%dma_wait3A_588] : memref<8736xi32, #tpu.memory_space<vmem>> -> memref<112xi32, #tpu.memory_space<vmem>>
    %dma_wait3A_590 = arith.constant 0 : i32
    %dma_wait3A_591 = tpu.memref_slice %arg2[%dma_wait3A_590] : memref<22633344xf32, #tpu.memory_space<hbm>> -> memref<22633344xf32, #tpu.memory_space<hbm>>
    tpu.wait_indirect_dma semaphore(%arg8 : memref<!tpu.dma_semaphore, #tpu.memory_space<semaphore_mem>>) src(%dma_wait3A_591 : memref<22633344xf32, #tpu.memory_space<hbm>>) dst(%dma_wait3A_587 : memref<112xf32, #tpu.memory_space<vmem>>)
    %dma_wait3A_592 = arith.constant 2240 : i32
    %dma_wait3A_593 = tpu.memref_slice %arg7[%dma_wait3A_592] : memref<8736xf32, #tpu.memory_space<vmem>> -> memref<112xf32, #tpu.memory_space<vmem>>
    %dma_wait3A_594 = arith.constant 2240 : i32
    %dma_wait3A_595 = tpu.memref_slice %arg6[%dma_wait3A_594] : memref<8736xi32, #tpu.memory_space<vmem>> -> memref<112xi32, #tpu.memory_space<vmem>>
    %dma_wait3A_596 = arith.constant 0 : i32
    %dma_wait3A_597 = tpu.memref_slice %arg2[%dma_wait3A_596] : memref<22633344xf32, #tpu.memory_space<hbm>> -> memref<22633344xf32, #tpu.memory_space<hbm>>
    tpu.wait_indirect_dma semaphore(%arg8 : memref<!tpu.dma_semaphore, #tpu.memory_space<semaphore_mem>>) src(%dma_wait3A_597 : memref<22633344xf32, #tpu.memory_space<hbm>>) dst(%dma_wait3A_593 : memref<112xf32, #tpu.memory_space<vmem>>)
    %dma_wait3A_598 = arith.constant 2352 : i32
    %dma_wait3A_599 = tpu.memref_slice %arg7[%dma_wait3A_598] : memref<8736xf32, #tpu.memory_space<vmem>> -> memref<112xf32, #tpu.memory_space<vmem>>
    %dma_wait3A_600 = arith.constant 2352 : i32
    %dma_wait3A_601 = tpu.memref_slice %arg6[%dma_wait3A_600] : memref<8736xi32, #tpu.memory_space<vmem>> -> memref<112xi32, #tpu.memory_space<vmem>>
    %dma_wait3A_602 = arith.constant 0 : i32
    %dma_wait3A_603 = tpu.memref_slice %arg2[%dma_wait3A_602] : memref<22633344xf32, #tpu.memory_space<hbm>> -> memref<22633344xf32, #tpu.memory_space<hbm>>
    tpu.wait_indirect_dma semaphore(%arg8 : memref<!tpu.dma_semaphore, #tpu.memory_space<semaphore_mem>>) src(%dma_wait3A_603 : memref<22633344xf32, #tpu.memory_space<hbm>>) dst(%dma_wait3A_599 : memref<112xf32, #tpu.memory_space<vmem>>)
    %dma_wait3A_604 = arith.constant 2464 : i32
    %dma_wait3A_605 = tpu.memref_slice %arg7[%dma_wait3A_604] : memref<8736xf32, #tpu.memory_space<vmem>> -> memref<112xf32, #tpu.memory_space<vmem>>
    %dma_wait3A_606 = arith.constant 2464 : i32
    %dma_wait3A_607 = tpu.memref_slice %arg6[%dma_wait3A_606] : memref<8736xi32, #tpu.memory_space<vmem>> -> memref<112xi32, #tpu.memory_space<vmem>>
    %dma_wait3A_608 = arith.constant 0 : i32
    %dma_wait3A_609 = tpu.memref_slice %arg2[%dma_wait3A_608] : memref<22633344xf32, #tpu.memory_space<hbm>> -> memref<22633344xf32, #tpu.memory_space<hbm>>
    tpu.wait_indirect_dma semaphore(%arg8 : memref<!tpu.dma_semaphore, #tpu.memory_space<semaphore_mem>>) src(%dma_wait3A_609 : memref<22633344xf32, #tpu.memory_space<hbm>>) dst(%dma_wait3A_605 : memref<112xf32, #tpu.memory_space<vmem>>)
    %dma_wait3A_610 = arith.constant 2576 : i32
    %dma_wait3A_611 = tpu.memref_slice %arg7[%dma_wait3A_610] : memref<8736xf32, #tpu.memory_space<vmem>> -> memref<112xf32, #tpu.memory_space<vmem>>
    %dma_wait3A_612 = arith.constant 2576 : i32
    %dma_wait3A_613 = tpu.memref_slice %arg6[%dma_wait3A_612] : memref<8736xi32, #tpu.memory_space<vmem>> -> memref<112xi32, #tpu.memory_space<vmem>>
    %dma_wait3A_614 = arith.constant 0 : i32
    %dma_wait3A_615 = tpu.memref_slice %arg2[%dma_wait3A_614] : memref<22633344xf32, #tpu.memory_space<hbm>> -> memref<22633344xf32, #tpu.memory_space<hbm>>
    tpu.wait_indirect_dma semaphore(%arg8 : memref<!tpu.dma_semaphore, #tpu.memory_space<semaphore_mem>>) src(%dma_wait3A_615 : memref<22633344xf32, #tpu.memory_space<hbm>>) dst(%dma_wait3A_611 : memref<112xf32, #tpu.memory_space<vmem>>)
    %dma_wait3A_616 = arith.constant 2688 : i32
    %dma_wait3A_617 = tpu.memref_slice %arg7[%dma_wait3A_616] : memref<8736xf32, #tpu.memory_space<vmem>> -> memref<112xf32, #tpu.memory_space<vmem>>
    %dma_wait3A_618 = arith.constant 2688 : i32
    %dma_wait3A_619 = tpu.memref_slice %arg6[%dma_wait3A_618] : memref<8736xi32, #tpu.memory_space<vmem>> -> memref<112xi32, #tpu.memory_space<vmem>>
    %dma_wait3A_620 = arith.constant 0 : i32
    %dma_wait3A_621 = tpu.memref_slice %arg2[%dma_wait3A_620] : memref<22633344xf32, #tpu.memory_space<hbm>> -> memref<22633344xf32, #tpu.memory_space<hbm>>
    tpu.wait_indirect_dma semaphore(%arg8 : memref<!tpu.dma_semaphore, #tpu.memory_space<semaphore_mem>>) src(%dma_wait3A_621 : memref<22633344xf32, #tpu.memory_space<hbm>>) dst(%dma_wait3A_617 : memref<112xf32, #tpu.memory_space<vmem>>)
    %dma_wait3A_622 = arith.constant 2800 : i32
    %dma_wait3A_623 = tpu.memref_slice %arg7[%dma_wait3A_622] : memref<8736xf32, #tpu.memory_space<vmem>> -> memref<112xf32, #tpu.memory_space<vmem>>
    %dma_wait3A_624 = arith.constant 2800 : i32
    %dma_wait3A_625 = tpu.memref_slice %arg6[%dma_wait3A_624] : memref<8736xi32, #tpu.memory_space<vmem>> -> memref<112xi32, #tpu.memory_space<vmem>>
    %dma_wait3A_626 = arith.constant 0 : i32
    %dma_wait3A_627 = tpu.memref_slice %arg2[%dma_wait3A_626] : memref<22633344xf32, #tpu.memory_space<hbm>> -> memref<22633344xf32, #tpu.memory_space<hbm>>
    tpu.wait_indirect_dma semaphore(%arg8 : memref<!tpu.dma_semaphore, #tpu.memory_space<semaphore_mem>>) src(%dma_wait3A_627 : memref<22633344xf32, #tpu.memory_space<hbm>>) dst(%dma_wait3A_623 : memref<112xf32, #tpu.memory_space<vmem>>)
    %dma_wait3A_628 = arith.constant 2912 : i32
    %dma_wait3A_629 = tpu.memref_slice %arg7[%dma_wait3A_628] : memref<8736xf32, #tpu.memory_space<vmem>> -> memref<112xf32, #tpu.memory_space<vmem>>
    %dma_wait3A_630 = arith.constant 2912 : i32
    %dma_wait3A_631 = tpu.memref_slice %arg6[%dma_wait3A_630] : memref<8736xi32, #tpu.memory_space<vmem>> -> memref<112xi32, #tpu.memory_space<vmem>>
    %dma_wait3A_632 = arith.constant 0 : i32
    %dma_wait3A_633 = tpu.memref_slice %arg2[%dma_wait3A_632] : memref<22633344xf32, #tpu.memory_space<hbm>> -> memref<22633344xf32, #tpu.memory_space<hbm>>
    tpu.wait_indirect_dma semaphore(%arg8 : memref<!tpu.dma_semaphore, #tpu.memory_space<semaphore_mem>>) src(%dma_wait3A_633 : memref<22633344xf32, #tpu.memory_space<hbm>>) dst(%dma_wait3A_629 : memref<112xf32, #tpu.memory_space<vmem>>)
    %dma_wait3A_634 = arith.constant 3024 : i32
    %dma_wait3A_635 = tpu.memref_slice %arg7[%dma_wait3A_634] : memref<8736xf32, #tpu.memory_space<vmem>> -> memref<112xf32, #tpu.memory_space<vmem>>
    %dma_wait3A_636 = arith.constant 3024 : i32
    %dma_wait3A_637 = tpu.memref_slice %arg6[%dma_wait3A_636] : memref<8736xi32, #tpu.memory_space<vmem>> -> memref<112xi32, #tpu.memory_space<vmem>>
    %dma_wait3A_638 = arith.constant 0 : i32
    %dma_wait3A_639 = tpu.memref_slice %arg2[%dma_wait3A_638] : memref<22633344xf32, #tpu.memory_space<hbm>> -> memref<22633344xf32, #tpu.memory_space<hbm>>
    tpu.wait_indirect_dma semaphore(%arg8 : memref<!tpu.dma_semaphore, #tpu.memory_space<semaphore_mem>>) src(%dma_wait3A_639 : memref<22633344xf32, #tpu.memory_space<hbm>>) dst(%dma_wait3A_635 : memref<112xf32, #tpu.memory_space<vmem>>)
    %dma_wait3A_640 = arith.constant 3136 : i32
    %dma_wait3A_641 = tpu.memref_slice %arg7[%dma_wait3A_640] : memref<8736xf32, #tpu.memory_space<vmem>> -> memref<112xf32, #tpu.memory_space<vmem>>
    %dma_wait3A_642 = arith.constant 3136 : i32
    %dma_wait3A_643 = tpu.memref_slice %arg6[%dma_wait3A_642] : memref<8736xi32, #tpu.memory_space<vmem>> -> memref<112xi32, #tpu.memory_space<vmem>>
    %dma_wait3A_644 = arith.constant 0 : i32
    %dma_wait3A_645 = tpu.memref_slice %arg2[%dma_wait3A_644] : memref<22633344xf32, #tpu.memory_space<hbm>> -> memref<22633344xf32, #tpu.memory_space<hbm>>
    tpu.wait_indirect_dma semaphore(%arg8 : memref<!tpu.dma_semaphore, #tpu.memory_space<semaphore_mem>>) src(%dma_wait3A_645 : memref<22633344xf32, #tpu.memory_space<hbm>>) dst(%dma_wait3A_641 : memref<112xf32, #tpu.memory_space<vmem>>)
    %dma_wait3A_646 = arith.constant 3248 : i32
    %dma_wait3A_647 = tpu.memref_slice %arg7[%dma_wait3A_646] : memref<8736xf32, #tpu.memory_space<vmem>> -> memref<112xf32, #tpu.memory_space<vmem>>
    %dma_wait3A_648 = arith.constant 3248 : i32
    %dma_wait3A_649 = tpu.memref_slice %arg6[%dma_wait3A_648] : memref<8736xi32, #tpu.memory_space<vmem>> -> memref<112xi32, #tpu.memory_space<vmem>>
    %dma_wait3A_650 = arith.constant 0 : i32
    %dma_wait3A_651 = tpu.memref_slice %arg2[%dma_wait3A_650] : memref<22633344xf32, #tpu.memory_space<hbm>> -> memref<22633344xf32, #tpu.memory_space<hbm>>
    tpu.wait_indirect_dma semaphore(%arg8 : memref<!tpu.dma_semaphore, #tpu.memory_space<semaphore_mem>>) src(%dma_wait3A_651 : memref<22633344xf32, #tpu.memory_space<hbm>>) dst(%dma_wait3A_647 : memref<112xf32, #tpu.memory_space<vmem>>)
    %dma_wait3A_652 = arith.constant 3360 : i32
    %dma_wait3A_653 = tpu.memref_slice %arg7[%dma_wait3A_652] : memref<8736xf32, #tpu.memory_space<vmem>> -> memref<112xf32, #tpu.memory_space<vmem>>
    %dma_wait3A_654 = arith.constant 3360 : i32
    %dma_wait3A_655 = tpu.memref_slice %arg6[%dma_wait3A_654] : memref<8736xi32, #tpu.memory_space<vmem>> -> memref<112xi32, #tpu.memory_space<vmem>>
    %dma_wait3A_656 = arith.constant 0 : i32
    %dma_wait3A_657 = tpu.memref_slice %arg2[%dma_wait3A_656] : memref<22633344xf32, #tpu.memory_space<hbm>> -> memref<22633344xf32, #tpu.memory_space<hbm>>
    tpu.wait_indirect_dma semaphore(%arg8 : memref<!tpu.dma_semaphore, #tpu.memory_space<semaphore_mem>>) src(%dma_wait3A_657 : memref<22633344xf32, #tpu.memory_space<hbm>>) dst(%dma_wait3A_653 : memref<112xf32, #tpu.memory_space<vmem>>)
    %dma_wait3A_658 = arith.constant 3472 : i32
    %dma_wait3A_659 = tpu.memref_slice %arg7[%dma_wait3A_658] : memref<8736xf32, #tpu.memory_space<vmem>> -> memref<112xf32, #tpu.memory_space<vmem>>
    %dma_wait3A_660 = arith.constant 3472 : i32
    %dma_wait3A_661 = tpu.memref_slice %arg6[%dma_wait3A_660] : memref<8736xi32, #tpu.memory_space<vmem>> -> memref<112xi32, #tpu.memory_space<vmem>>
    %dma_wait3A_662 = arith.constant 0 : i32
    %dma_wait3A_663 = tpu.memref_slice %arg2[%dma_wait3A_662] : memref<22633344xf32, #tpu.memory_space<hbm>> -> memref<22633344xf32, #tpu.memory_space<hbm>>
    tpu.wait_indirect_dma semaphore(%arg8 : memref<!tpu.dma_semaphore, #tpu.memory_space<semaphore_mem>>) src(%dma_wait3A_663 : memref<22633344xf32, #tpu.memory_space<hbm>>) dst(%dma_wait3A_659 : memref<112xf32, #tpu.memory_space<vmem>>)
    %dma_wait3A_664 = arith.constant 3584 : i32
    %dma_wait3A_665 = tpu.memref_slice %arg7[%dma_wait3A_664] : memref<8736xf32, #tpu.memory_space<vmem>> -> memref<112xf32, #tpu.memory_space<vmem>>
    %dma_wait3A_666 = arith.constant 3584 : i32
    %dma_wait3A_667 = tpu.memref_slice %arg6[%dma_wait3A_666] : memref<8736xi32, #tpu.memory_space<vmem>> -> memref<112xi32, #tpu.memory_space<vmem>>
    %dma_wait3A_668 = arith.constant 0 : i32
    %dma_wait3A_669 = tpu.memref_slice %arg2[%dma_wait3A_668] : memref<22633344xf32, #tpu.memory_space<hbm>> -> memref<22633344xf32, #tpu.memory_space<hbm>>
    tpu.wait_indirect_dma semaphore(%arg8 : memref<!tpu.dma_semaphore, #tpu.memory_space<semaphore_mem>>) src(%dma_wait3A_669 : memref<22633344xf32, #tpu.memory_space<hbm>>) dst(%dma_wait3A_665 : memref<112xf32, #tpu.memory_space<vmem>>)
    %dma_wait3A_670 = arith.constant 3696 : i32
    %dma_wait3A_671 = tpu.memref_slice %arg7[%dma_wait3A_670] : memref<8736xf32, #tpu.memory_space<vmem>> -> memref<112xf32, #tpu.memory_space<vmem>>
    %dma_wait3A_672 = arith.constant 3696 : i32
    %dma_wait3A_673 = tpu.memref_slice %arg6[%dma_wait3A_672] : memref<8736xi32, #tpu.memory_space<vmem>> -> memref<112xi32, #tpu.memory_space<vmem>>
    %dma_wait3A_674 = arith.constant 0 : i32
    %dma_wait3A_675 = tpu.memref_slice %arg2[%dma_wait3A_674] : memref<22633344xf32, #tpu.memory_space<hbm>> -> memref<22633344xf32, #tpu.memory_space<hbm>>
    tpu.wait_indirect_dma semaphore(%arg8 : memref<!tpu.dma_semaphore, #tpu.memory_space<semaphore_mem>>) src(%dma_wait3A_675 : memref<22633344xf32, #tpu.memory_space<hbm>>) dst(%dma_wait3A_671 : memref<112xf32, #tpu.memory_space<vmem>>)
    %dma_wait3A_676 = arith.constant 3808 : i32
    %dma_wait3A_677 = tpu.memref_slice %arg7[%dma_wait3A_676] : memref<8736xf32, #tpu.memory_space<vmem>> -> memref<112xf32, #tpu.memory_space<vmem>>
    %dma_wait3A_678 = arith.constant 3808 : i32
    %dma_wait3A_679 = tpu.memref_slice %arg6[%dma_wait3A_678] : memref<8736xi32, #tpu.memory_space<vmem>> -> memref<112xi32, #tpu.memory_space<vmem>>
    %dma_wait3A_680 = arith.constant 0 : i32
    %dma_wait3A_681 = tpu.memref_slice %arg2[%dma_wait3A_680] : memref<22633344xf32, #tpu.memory_space<hbm>> -> memref<22633344xf32, #tpu.memory_space<hbm>>
    tpu.wait_indirect_dma semaphore(%arg8 : memref<!tpu.dma_semaphore, #tpu.memory_space<semaphore_mem>>) src(%dma_wait3A_681 : memref<22633344xf32, #tpu.memory_space<hbm>>) dst(%dma_wait3A_677 : memref<112xf32, #tpu.memory_space<vmem>>)
    %dma_wait3A_682 = arith.constant 3920 : i32
    %dma_wait3A_683 = tpu.memref_slice %arg7[%dma_wait3A_682] : memref<8736xf32, #tpu.memory_space<vmem>> -> memref<112xf32, #tpu.memory_space<vmem>>
    %dma_wait3A_684 = arith.constant 3920 : i32
    %dma_wait3A_685 = tpu.memref_slice %arg6[%dma_wait3A_684] : memref<8736xi32, #tpu.memory_space<vmem>> -> memref<112xi32, #tpu.memory_space<vmem>>
    %dma_wait3A_686 = arith.constant 0 : i32
    %dma_wait3A_687 = tpu.memref_slice %arg2[%dma_wait3A_686] : memref<22633344xf32, #tpu.memory_space<hbm>> -> memref<22633344xf32, #tpu.memory_space<hbm>>
    tpu.wait_indirect_dma semaphore(%arg8 : memref<!tpu.dma_semaphore, #tpu.memory_space<semaphore_mem>>) src(%dma_wait3A_687 : memref<22633344xf32, #tpu.memory_space<hbm>>) dst(%dma_wait3A_683 : memref<112xf32, #tpu.memory_space<vmem>>)
    %dma_wait3A_688 = arith.constant 4032 : i32
    %dma_wait3A_689 = tpu.memref_slice %arg7[%dma_wait3A_688] : memref<8736xf32, #tpu.memory_space<vmem>> -> memref<112xf32, #tpu.memory_space<vmem>>
    %dma_wait3A_690 = arith.constant 4032 : i32
    %dma_wait3A_691 = tpu.memref_slice %arg6[%dma_wait3A_690] : memref<8736xi32, #tpu.memory_space<vmem>> -> memref<112xi32, #tpu.memory_space<vmem>>
    %dma_wait3A_692 = arith.constant 0 : i32
    %dma_wait3A_693 = tpu.memref_slice %arg2[%dma_wait3A_692] : memref<22633344xf32, #tpu.memory_space<hbm>> -> memref<22633344xf32, #tpu.memory_space<hbm>>
    tpu.wait_indirect_dma semaphore(%arg8 : memref<!tpu.dma_semaphore, #tpu.memory_space<semaphore_mem>>) src(%dma_wait3A_693 : memref<22633344xf32, #tpu.memory_space<hbm>>) dst(%dma_wait3A_689 : memref<112xf32, #tpu.memory_space<vmem>>)
    %dma_wait3A_694 = arith.constant 4144 : i32
    %dma_wait3A_695 = tpu.memref_slice %arg7[%dma_wait3A_694] : memref<8736xf32, #tpu.memory_space<vmem>> -> memref<112xf32, #tpu.memory_space<vmem>>
    %dma_wait3A_696 = arith.constant 4144 : i32
    %dma_wait3A_697 = tpu.memref_slice %arg6[%dma_wait3A_696] : memref<8736xi32, #tpu.memory_space<vmem>> -> memref<112xi32, #tpu.memory_space<vmem>>
    %dma_wait3A_698 = arith.constant 0 : i32
    %dma_wait3A_699 = tpu.memref_slice %arg2[%dma_wait3A_698] : memref<22633344xf32, #tpu.memory_space<hbm>> -> memref<22633344xf32, #tpu.memory_space<hbm>>
    tpu.wait_indirect_dma semaphore(%arg8 : memref<!tpu.dma_semaphore, #tpu.memory_space<semaphore_mem>>) src(%dma_wait3A_699 : memref<22633344xf32, #tpu.memory_space<hbm>>) dst(%dma_wait3A_695 : memref<112xf32, #tpu.memory_space<vmem>>)
    %dma_wait3A_700 = arith.constant 4256 : i32
    %dma_wait3A_701 = tpu.memref_slice %arg7[%dma_wait3A_700] : memref<8736xf32, #tpu.memory_space<vmem>> -> memref<112xf32, #tpu.memory_space<vmem>>
    %dma_wait3A_702 = arith.constant 4256 : i32
    %dma_wait3A_703 = tpu.memref_slice %arg6[%dma_wait3A_702] : memref<8736xi32, #tpu.memory_space<vmem>> -> memref<112xi32, #tpu.memory_space<vmem>>
    %dma_wait3A_704 = arith.constant 0 : i32
    %dma_wait3A_705 = tpu.memref_slice %arg2[%dma_wait3A_704] : memref<22633344xf32, #tpu.memory_space<hbm>> -> memref<22633344xf32, #tpu.memory_space<hbm>>
    tpu.wait_indirect_dma semaphore(%arg8 : memref<!tpu.dma_semaphore, #tpu.memory_space<semaphore_mem>>) src(%dma_wait3A_705 : memref<22633344xf32, #tpu.memory_space<hbm>>) dst(%dma_wait3A_701 : memref<112xf32, #tpu.memory_space<vmem>>)
    %dma_wait3A_706 = arith.constant 4368 : i32
    %dma_wait3A_707 = tpu.memref_slice %arg7[%dma_wait3A_706] : memref<8736xf32, #tpu.memory_space<vmem>> -> memref<112xf32, #tpu.memory_space<vmem>>
    %dma_wait3A_708 = arith.constant 4368 : i32
    %dma_wait3A_709 = tpu.memref_slice %arg6[%dma_wait3A_708] : memref<8736xi32, #tpu.memory_space<vmem>> -> memref<112xi32, #tpu.memory_space<vmem>>
    %dma_wait3A_710 = arith.constant 0 : i32
    %dma_wait3A_711 = tpu.memref_slice %arg2[%dma_wait3A_710] : memref<22633344xf32, #tpu.memory_space<hbm>> -> memref<22633344xf32, #tpu.memory_space<hbm>>
    tpu.wait_indirect_dma semaphore(%arg8 : memref<!tpu.dma_semaphore, #tpu.memory_space<semaphore_mem>>) src(%dma_wait3A_711 : memref<22633344xf32, #tpu.memory_space<hbm>>) dst(%dma_wait3A_707 : memref<112xf32, #tpu.memory_space<vmem>>)
    %dma_wait3A_712 = arith.constant 4480 : i32
    %dma_wait3A_713 = tpu.memref_slice %arg7[%dma_wait3A_712] : memref<8736xf32, #tpu.memory_space<vmem>> -> memref<112xf32, #tpu.memory_space<vmem>>
    %dma_wait3A_714 = arith.constant 4480 : i32
    %dma_wait3A_715 = tpu.memref_slice %arg6[%dma_wait3A_714] : memref<8736xi32, #tpu.memory_space<vmem>> -> memref<112xi32, #tpu.memory_space<vmem>>
    %dma_wait3A_716 = arith.constant 0 : i32
    %dma_wait3A_717 = tpu.memref_slice %arg2[%dma_wait3A_716] : memref<22633344xf32, #tpu.memory_space<hbm>> -> memref<22633344xf32, #tpu.memory_space<hbm>>
    tpu.wait_indirect_dma semaphore(%arg8 : memref<!tpu.dma_semaphore, #tpu.memory_space<semaphore_mem>>) src(%dma_wait3A_717 : memref<22633344xf32, #tpu.memory_space<hbm>>) dst(%dma_wait3A_713 : memref<112xf32, #tpu.memory_space<vmem>>)
    %dma_wait3A_718 = arith.constant 4592 : i32
    %dma_wait3A_719 = tpu.memref_slice %arg7[%dma_wait3A_718] : memref<8736xf32, #tpu.memory_space<vmem>> -> memref<112xf32, #tpu.memory_space<vmem>>
    %dma_wait3A_720 = arith.constant 4592 : i32
    %dma_wait3A_721 = tpu.memref_slice %arg6[%dma_wait3A_720] : memref<8736xi32, #tpu.memory_space<vmem>> -> memref<112xi32, #tpu.memory_space<vmem>>
    %dma_wait3A_722 = arith.constant 0 : i32
    %dma_wait3A_723 = tpu.memref_slice %arg2[%dma_wait3A_722] : memref<22633344xf32, #tpu.memory_space<hbm>> -> memref<22633344xf32, #tpu.memory_space<hbm>>
    tpu.wait_indirect_dma semaphore(%arg8 : memref<!tpu.dma_semaphore, #tpu.memory_space<semaphore_mem>>) src(%dma_wait3A_723 : memref<22633344xf32, #tpu.memory_space<hbm>>) dst(%dma_wait3A_719 : memref<112xf32, #tpu.memory_space<vmem>>)
    %dma_wait3A_724 = arith.constant 4704 : i32
    %dma_wait3A_725 = tpu.memref_slice %arg7[%dma_wait3A_724] : memref<8736xf32, #tpu.memory_space<vmem>> -> memref<112xf32, #tpu.memory_space<vmem>>
    %dma_wait3A_726 = arith.constant 4704 : i32
    %dma_wait3A_727 = tpu.memref_slice %arg6[%dma_wait3A_726] : memref<8736xi32, #tpu.memory_space<vmem>> -> memref<112xi32, #tpu.memory_space<vmem>>
    %dma_wait3A_728 = arith.constant 0 : i32
    %dma_wait3A_729 = tpu.memref_slice %arg2[%dma_wait3A_728] : memref<22633344xf32, #tpu.memory_space<hbm>> -> memref<22633344xf32, #tpu.memory_space<hbm>>
    tpu.wait_indirect_dma semaphore(%arg8 : memref<!tpu.dma_semaphore, #tpu.memory_space<semaphore_mem>>) src(%dma_wait3A_729 : memref<22633344xf32, #tpu.memory_space<hbm>>) dst(%dma_wait3A_725 : memref<112xf32, #tpu.memory_space<vmem>>)
    %dma_wait3A_730 = arith.constant 4816 : i32
    %dma_wait3A_731 = tpu.memref_slice %arg7[%dma_wait3A_730] : memref<8736xf32, #tpu.memory_space<vmem>> -> memref<112xf32, #tpu.memory_space<vmem>>
    %dma_wait3A_732 = arith.constant 4816 : i32
    %dma_wait3A_733 = tpu.memref_slice %arg6[%dma_wait3A_732] : memref<8736xi32, #tpu.memory_space<vmem>> -> memref<112xi32, #tpu.memory_space<vmem>>
    %dma_wait3A_734 = arith.constant 0 : i32
    %dma_wait3A_735 = tpu.memref_slice %arg2[%dma_wait3A_734] : memref<22633344xf32, #tpu.memory_space<hbm>> -> memref<22633344xf32, #tpu.memory_space<hbm>>
    tpu.wait_indirect_dma semaphore(%arg8 : memref<!tpu.dma_semaphore, #tpu.memory_space<semaphore_mem>>) src(%dma_wait3A_735 : memref<22633344xf32, #tpu.memory_space<hbm>>) dst(%dma_wait3A_731 : memref<112xf32, #tpu.memory_space<vmem>>)
    %dma_wait3A_736 = arith.constant 4928 : i32
    %dma_wait3A_737 = tpu.memref_slice %arg7[%dma_wait3A_736] : memref<8736xf32, #tpu.memory_space<vmem>> -> memref<112xf32, #tpu.memory_space<vmem>>
    %dma_wait3A_738 = arith.constant 4928 : i32
    %dma_wait3A_739 = tpu.memref_slice %arg6[%dma_wait3A_738] : memref<8736xi32, #tpu.memory_space<vmem>> -> memref<112xi32, #tpu.memory_space<vmem>>
    %dma_wait3A_740 = arith.constant 0 : i32
    %dma_wait3A_741 = tpu.memref_slice %arg2[%dma_wait3A_740] : memref<22633344xf32, #tpu.memory_space<hbm>> -> memref<22633344xf32, #tpu.memory_space<hbm>>
    tpu.wait_indirect_dma semaphore(%arg8 : memref<!tpu.dma_semaphore, #tpu.memory_space<semaphore_mem>>) src(%dma_wait3A_741 : memref<22633344xf32, #tpu.memory_space<hbm>>) dst(%dma_wait3A_737 : memref<112xf32, #tpu.memory_space<vmem>>)
    %dma_wait3A_742 = arith.constant 5040 : i32
    %dma_wait3A_743 = tpu.memref_slice %arg7[%dma_wait3A_742] : memref<8736xf32, #tpu.memory_space<vmem>> -> memref<112xf32, #tpu.memory_space<vmem>>
    %dma_wait3A_744 = arith.constant 5040 : i32
    %dma_wait3A_745 = tpu.memref_slice %arg6[%dma_wait3A_744] : memref<8736xi32, #tpu.memory_space<vmem>> -> memref<112xi32, #tpu.memory_space<vmem>>
    %dma_wait3A_746 = arith.constant 0 : i32
    %dma_wait3A_747 = tpu.memref_slice %arg2[%dma_wait3A_746] : memref<22633344xf32, #tpu.memory_space<hbm>> -> memref<22633344xf32, #tpu.memory_space<hbm>>
    tpu.wait_indirect_dma semaphore(%arg8 : memref<!tpu.dma_semaphore, #tpu.memory_space<semaphore_mem>>) src(%dma_wait3A_747 : memref<22633344xf32, #tpu.memory_space<hbm>>) dst(%dma_wait3A_743 : memref<112xf32, #tpu.memory_space<vmem>>)
    %dma_wait3A_748 = arith.constant 5152 : i32
    %dma_wait3A_749 = tpu.memref_slice %arg7[%dma_wait3A_748] : memref<8736xf32, #tpu.memory_space<vmem>> -> memref<112xf32, #tpu.memory_space<vmem>>
    %dma_wait3A_750 = arith.constant 5152 : i32
    %dma_wait3A_751 = tpu.memref_slice %arg6[%dma_wait3A_750] : memref<8736xi32, #tpu.memory_space<vmem>> -> memref<112xi32, #tpu.memory_space<vmem>>
    %dma_wait3A_752 = arith.constant 0 : i32
    %dma_wait3A_753 = tpu.memref_slice %arg2[%dma_wait3A_752] : memref<22633344xf32, #tpu.memory_space<hbm>> -> memref<22633344xf32, #tpu.memory_space<hbm>>
    tpu.wait_indirect_dma semaphore(%arg8 : memref<!tpu.dma_semaphore, #tpu.memory_space<semaphore_mem>>) src(%dma_wait3A_753 : memref<22633344xf32, #tpu.memory_space<hbm>>) dst(%dma_wait3A_749 : memref<112xf32, #tpu.memory_space<vmem>>)
    %dma_wait3A_754 = arith.constant 5264 : i32
    %dma_wait3A_755 = tpu.memref_slice %arg7[%dma_wait3A_754] : memref<8736xf32, #tpu.memory_space<vmem>> -> memref<112xf32, #tpu.memory_space<vmem>>
    %dma_wait3A_756 = arith.constant 5264 : i32
    %dma_wait3A_757 = tpu.memref_slice %arg6[%dma_wait3A_756] : memref<8736xi32, #tpu.memory_space<vmem>> -> memref<112xi32, #tpu.memory_space<vmem>>
    %dma_wait3A_758 = arith.constant 0 : i32
    %dma_wait3A_759 = tpu.memref_slice %arg2[%dma_wait3A_758] : memref<22633344xf32, #tpu.memory_space<hbm>> -> memref<22633344xf32, #tpu.memory_space<hbm>>
    tpu.wait_indirect_dma semaphore(%arg8 : memref<!tpu.dma_semaphore, #tpu.memory_space<semaphore_mem>>) src(%dma_wait3A_759 : memref<22633344xf32, #tpu.memory_space<hbm>>) dst(%dma_wait3A_755 : memref<112xf32, #tpu.memory_space<vmem>>)
    %dma_wait3A_760 = arith.constant 5376 : i32
    %dma_wait3A_761 = tpu.memref_slice %arg7[%dma_wait3A_760] : memref<8736xf32, #tpu.memory_space<vmem>> -> memref<112xf32, #tpu.memory_space<vmem>>
    %dma_wait3A_762 = arith.constant 5376 : i32
    %dma_wait3A_763 = tpu.memref_slice %arg6[%dma_wait3A_762] : memref<8736xi32, #tpu.memory_space<vmem>> -> memref<112xi32, #tpu.memory_space<vmem>>
    %dma_wait3A_764 = arith.constant 0 : i32
    %dma_wait3A_765 = tpu.memref_slice %arg2[%dma_wait3A_764] : memref<22633344xf32, #tpu.memory_space<hbm>> -> memref<22633344xf32, #tpu.memory_space<hbm>>
    tpu.wait_indirect_dma semaphore(%arg8 : memref<!tpu.dma_semaphore, #tpu.memory_space<semaphore_mem>>) src(%dma_wait3A_765 : memref<22633344xf32, #tpu.memory_space<hbm>>) dst(%dma_wait3A_761 : memref<112xf32, #tpu.memory_space<vmem>>)
    %dma_wait3A_766 = arith.constant 5488 : i32
    %dma_wait3A_767 = tpu.memref_slice %arg7[%dma_wait3A_766] : memref<8736xf32, #tpu.memory_space<vmem>> -> memref<112xf32, #tpu.memory_space<vmem>>
    %dma_wait3A_768 = arith.constant 5488 : i32
    %dma_wait3A_769 = tpu.memref_slice %arg6[%dma_wait3A_768] : memref<8736xi32, #tpu.memory_space<vmem>> -> memref<112xi32, #tpu.memory_space<vmem>>
    %dma_wait3A_770 = arith.constant 0 : i32
    %dma_wait3A_771 = tpu.memref_slice %arg2[%dma_wait3A_770] : memref<22633344xf32, #tpu.memory_space<hbm>> -> memref<22633344xf32, #tpu.memory_space<hbm>>
    tpu.wait_indirect_dma semaphore(%arg8 : memref<!tpu.dma_semaphore, #tpu.memory_space<semaphore_mem>>) src(%dma_wait3A_771 : memref<22633344xf32, #tpu.memory_space<hbm>>) dst(%dma_wait3A_767 : memref<112xf32, #tpu.memory_space<vmem>>)
    %dma_wait3A_772 = arith.constant 5600 : i32
    %dma_wait3A_773 = tpu.memref_slice %arg7[%dma_wait3A_772] : memref<8736xf32, #tpu.memory_space<vmem>> -> memref<112xf32, #tpu.memory_space<vmem>>
    %dma_wait3A_774 = arith.constant 5600 : i32
    %dma_wait3A_775 = tpu.memref_slice %arg6[%dma_wait3A_774] : memref<8736xi32, #tpu.memory_space<vmem>> -> memref<112xi32, #tpu.memory_space<vmem>>
    %dma_wait3A_776 = arith.constant 0 : i32
    %dma_wait3A_777 = tpu.memref_slice %arg2[%dma_wait3A_776] : memref<22633344xf32, #tpu.memory_space<hbm>> -> memref<22633344xf32, #tpu.memory_space<hbm>>
    tpu.wait_indirect_dma semaphore(%arg8 : memref<!tpu.dma_semaphore, #tpu.memory_space<semaphore_mem>>) src(%dma_wait3A_777 : memref<22633344xf32, #tpu.memory_space<hbm>>) dst(%dma_wait3A_773 : memref<112xf32, #tpu.memory_space<vmem>>)
    %dma_wait3A_778 = arith.constant 5712 : i32
    %dma_wait3A_779 = tpu.memref_slice %arg7[%dma_wait3A_778] : memref<8736xf32, #tpu.memory_space<vmem>> -> memref<112xf32, #tpu.memory_space<vmem>>
    %dma_wait3A_780 = arith.constant 5712 : i32
    %dma_wait3A_781 = tpu.memref_slice %arg6[%dma_wait3A_780] : memref<8736xi32, #tpu.memory_space<vmem>> -> memref<112xi32, #tpu.memory_space<vmem>>
    %dma_wait3A_782 = arith.constant 0 : i32
    %dma_wait3A_783 = tpu.memref_slice %arg2[%dma_wait3A_782] : memref<22633344xf32, #tpu.memory_space<hbm>> -> memref<22633344xf32, #tpu.memory_space<hbm>>
    tpu.wait_indirect_dma semaphore(%arg8 : memref<!tpu.dma_semaphore, #tpu.memory_space<semaphore_mem>>) src(%dma_wait3A_783 : memref<22633344xf32, #tpu.memory_space<hbm>>) dst(%dma_wait3A_779 : memref<112xf32, #tpu.memory_space<vmem>>)
    %dma_wait3A_784 = arith.constant 5824 : i32
    %dma_wait3A_785 = tpu.memref_slice %arg7[%dma_wait3A_784] : memref<8736xf32, #tpu.memory_space<vmem>> -> memref<112xf32, #tpu.memory_space<vmem>>
    %dma_wait3A_786 = arith.constant 5824 : i32
    %dma_wait3A_787 = tpu.memref_slice %arg6[%dma_wait3A_786] : memref<8736xi32, #tpu.memory_space<vmem>> -> memref<112xi32, #tpu.memory_space<vmem>>
    %dma_wait3A_788 = arith.constant 0 : i32
    %dma_wait3A_789 = tpu.memref_slice %arg2[%dma_wait3A_788] : memref<22633344xf32, #tpu.memory_space<hbm>> -> memref<22633344xf32, #tpu.memory_space<hbm>>
    tpu.wait_indirect_dma semaphore(%arg8 : memref<!tpu.dma_semaphore, #tpu.memory_space<semaphore_mem>>) src(%dma_wait3A_789 : memref<22633344xf32, #tpu.memory_space<hbm>>) dst(%dma_wait3A_785 : memref<112xf32, #tpu.memory_space<vmem>>)
    %dma_wait3A_790 = arith.constant 5936 : i32
    %dma_wait3A_791 = tpu.memref_slice %arg7[%dma_wait3A_790] : memref<8736xf32, #tpu.memory_space<vmem>> -> memref<112xf32, #tpu.memory_space<vmem>>
    %dma_wait3A_792 = arith.constant 5936 : i32
    %dma_wait3A_793 = tpu.memref_slice %arg6[%dma_wait3A_792] : memref<8736xi32, #tpu.memory_space<vmem>> -> memref<112xi32, #tpu.memory_space<vmem>>
    %dma_wait3A_794 = arith.constant 0 : i32
    %dma_wait3A_795 = tpu.memref_slice %arg2[%dma_wait3A_794] : memref<22633344xf32, #tpu.memory_space<hbm>> -> memref<22633344xf32, #tpu.memory_space<hbm>>
    tpu.wait_indirect_dma semaphore(%arg8 : memref<!tpu.dma_semaphore, #tpu.memory_space<semaphore_mem>>) src(%dma_wait3A_795 : memref<22633344xf32, #tpu.memory_space<hbm>>) dst(%dma_wait3A_791 : memref<112xf32, #tpu.memory_space<vmem>>)
    %dma_wait3A_796 = arith.constant 6048 : i32
    %dma_wait3A_797 = tpu.memref_slice %arg7[%dma_wait3A_796] : memref<8736xf32, #tpu.memory_space<vmem>> -> memref<112xf32, #tpu.memory_space<vmem>>
    %dma_wait3A_798 = arith.constant 6048 : i32
    %dma_wait3A_799 = tpu.memref_slice %arg6[%dma_wait3A_798] : memref<8736xi32, #tpu.memory_space<vmem>> -> memref<112xi32, #tpu.memory_space<vmem>>
    %dma_wait3A_800 = arith.constant 0 : i32
    %dma_wait3A_801 = tpu.memref_slice %arg2[%dma_wait3A_800] : memref<22633344xf32, #tpu.memory_space<hbm>> -> memref<22633344xf32, #tpu.memory_space<hbm>>
    tpu.wait_indirect_dma semaphore(%arg8 : memref<!tpu.dma_semaphore, #tpu.memory_space<semaphore_mem>>) src(%dma_wait3A_801 : memref<22633344xf32, #tpu.memory_space<hbm>>) dst(%dma_wait3A_797 : memref<112xf32, #tpu.memory_space<vmem>>)
    %dma_wait3A_802 = arith.constant 6160 : i32
    %dma_wait3A_803 = tpu.memref_slice %arg7[%dma_wait3A_802] : memref<8736xf32, #tpu.memory_space<vmem>> -> memref<112xf32, #tpu.memory_space<vmem>>
    %dma_wait3A_804 = arith.constant 6160 : i32
    %dma_wait3A_805 = tpu.memref_slice %arg6[%dma_wait3A_804] : memref<8736xi32, #tpu.memory_space<vmem>> -> memref<112xi32, #tpu.memory_space<vmem>>
    %dma_wait3A_806 = arith.constant 0 : i32
    %dma_wait3A_807 = tpu.memref_slice %arg2[%dma_wait3A_806] : memref<22633344xf32, #tpu.memory_space<hbm>> -> memref<22633344xf32, #tpu.memory_space<hbm>>
    tpu.wait_indirect_dma semaphore(%arg8 : memref<!tpu.dma_semaphore, #tpu.memory_space<semaphore_mem>>) src(%dma_wait3A_807 : memref<22633344xf32, #tpu.memory_space<hbm>>) dst(%dma_wait3A_803 : memref<112xf32, #tpu.memory_space<vmem>>)
    %dma_wait3A_808 = arith.constant 6272 : i32
    %dma_wait3A_809 = tpu.memref_slice %arg7[%dma_wait3A_808] : memref<8736xf32, #tpu.memory_space<vmem>> -> memref<112xf32, #tpu.memory_space<vmem>>
    %dma_wait3A_810 = arith.constant 6272 : i32
    %dma_wait3A_811 = tpu.memref_slice %arg6[%dma_wait3A_810] : memref<8736xi32, #tpu.memory_space<vmem>> -> memref<112xi32, #tpu.memory_space<vmem>>
    %dma_wait3A_812 = arith.constant 0 : i32
    %dma_wait3A_813 = tpu.memref_slice %arg2[%dma_wait3A_812] : memref<22633344xf32, #tpu.memory_space<hbm>> -> memref<22633344xf32, #tpu.memory_space<hbm>>
    tpu.wait_indirect_dma semaphore(%arg8 : memref<!tpu.dma_semaphore, #tpu.memory_space<semaphore_mem>>) src(%dma_wait3A_813 : memref<22633344xf32, #tpu.memory_space<hbm>>) dst(%dma_wait3A_809 : memref<112xf32, #tpu.memory_space<vmem>>)
    %dma_wait3A_814 = arith.constant 6384 : i32
    %dma_wait3A_815 = tpu.memref_slice %arg7[%dma_wait3A_814] : memref<8736xf32, #tpu.memory_space<vmem>> -> memref<112xf32, #tpu.memory_space<vmem>>
    %dma_wait3A_816 = arith.constant 6384 : i32
    %dma_wait3A_817 = tpu.memref_slice %arg6[%dma_wait3A_816] : memref<8736xi32, #tpu.memory_space<vmem>> -> memref<112xi32, #tpu.memory_space<vmem>>
    %dma_wait3A_818 = arith.constant 0 : i32
    %dma_wait3A_819 = tpu.memref_slice %arg2[%dma_wait3A_818] : memref<22633344xf32, #tpu.memory_space<hbm>> -> memref<22633344xf32, #tpu.memory_space<hbm>>
    tpu.wait_indirect_dma semaphore(%arg8 : memref<!tpu.dma_semaphore, #tpu.memory_space<semaphore_mem>>) src(%dma_wait3A_819 : memref<22633344xf32, #tpu.memory_space<hbm>>) dst(%dma_wait3A_815 : memref<112xf32, #tpu.memory_space<vmem>>)
    %dma_wait3A_820 = arith.constant 6496 : i32
    %dma_wait3A_821 = tpu.memref_slice %arg7[%dma_wait3A_820] : memref<8736xf32, #tpu.memory_space<vmem>> -> memref<112xf32, #tpu.memory_space<vmem>>
    %dma_wait3A_822 = arith.constant 6496 : i32
    %dma_wait3A_823 = tpu.memref_slice %arg6[%dma_wait3A_822] : memref<8736xi32, #tpu.memory_space<vmem>> -> memref<112xi32, #tpu.memory_space<vmem>>
    %dma_wait3A_824 = arith.constant 0 : i32
    %dma_wait3A_825 = tpu.memref_slice %arg2[%dma_wait3A_824] : memref<22633344xf32, #tpu.memory_space<hbm>> -> memref<22633344xf32, #tpu.memory_space<hbm>>
    tpu.wait_indirect_dma semaphore(%arg8 : memref<!tpu.dma_semaphore, #tpu.memory_space<semaphore_mem>>) src(%dma_wait3A_825 : memref<22633344xf32, #tpu.memory_space<hbm>>) dst(%dma_wait3A_821 : memref<112xf32, #tpu.memory_space<vmem>>)
    %dma_wait3A_826 = arith.constant 6608 : i32
    %dma_wait3A_827 = tpu.memref_slice %arg7[%dma_wait3A_826] : memref<8736xf32, #tpu.memory_space<vmem>> -> memref<112xf32, #tpu.memory_space<vmem>>
    %dma_wait3A_828 = arith.constant 6608 : i32
    %dma_wait3A_829 = tpu.memref_slice %arg6[%dma_wait3A_828] : memref<8736xi32, #tpu.memory_space<vmem>> -> memref<112xi32, #tpu.memory_space<vmem>>
    %dma_wait3A_830 = arith.constant 0 : i32
    %dma_wait3A_831 = tpu.memref_slice %arg2[%dma_wait3A_830] : memref<22633344xf32, #tpu.memory_space<hbm>> -> memref<22633344xf32, #tpu.memory_space<hbm>>
    tpu.wait_indirect_dma semaphore(%arg8 : memref<!tpu.dma_semaphore, #tpu.memory_space<semaphore_mem>>) src(%dma_wait3A_831 : memref<22633344xf32, #tpu.memory_space<hbm>>) dst(%dma_wait3A_827 : memref<112xf32, #tpu.memory_space<vmem>>)
    %dma_wait3A_832 = arith.constant 6720 : i32
    %dma_wait3A_833 = tpu.memref_slice %arg7[%dma_wait3A_832] : memref<8736xf32, #tpu.memory_space<vmem>> -> memref<112xf32, #tpu.memory_space<vmem>>
    %dma_wait3A_834 = arith.constant 6720 : i32
    %dma_wait3A_835 = tpu.memref_slice %arg6[%dma_wait3A_834] : memref<8736xi32, #tpu.memory_space<vmem>> -> memref<112xi32, #tpu.memory_space<vmem>>
    %dma_wait3A_836 = arith.constant 0 : i32
    %dma_wait3A_837 = tpu.memref_slice %arg2[%dma_wait3A_836] : memref<22633344xf32, #tpu.memory_space<hbm>> -> memref<22633344xf32, #tpu.memory_space<hbm>>
    tpu.wait_indirect_dma semaphore(%arg8 : memref<!tpu.dma_semaphore, #tpu.memory_space<semaphore_mem>>) src(%dma_wait3A_837 : memref<22633344xf32, #tpu.memory_space<hbm>>) dst(%dma_wait3A_833 : memref<112xf32, #tpu.memory_space<vmem>>)
    %dma_wait3A_838 = arith.constant 6832 : i32
    %dma_wait3A_839 = tpu.memref_slice %arg7[%dma_wait3A_838] : memref<8736xf32, #tpu.memory_space<vmem>> -> memref<112xf32, #tpu.memory_space<vmem>>
    %dma_wait3A_840 = arith.constant 6832 : i32
    %dma_wait3A_841 = tpu.memref_slice %arg6[%dma_wait3A_840] : memref<8736xi32, #tpu.memory_space<vmem>> -> memref<112xi32, #tpu.memory_space<vmem>>
    %dma_wait3A_842 = arith.constant 0 : i32
    %dma_wait3A_843 = tpu.memref_slice %arg2[%dma_wait3A_842] : memref<22633344xf32, #tpu.memory_space<hbm>> -> memref<22633344xf32, #tpu.memory_space<hbm>>
    tpu.wait_indirect_dma semaphore(%arg8 : memref<!tpu.dma_semaphore, #tpu.memory_space<semaphore_mem>>) src(%dma_wait3A_843 : memref<22633344xf32, #tpu.memory_space<hbm>>) dst(%dma_wait3A_839 : memref<112xf32, #tpu.memory_space<vmem>>)
    %dma_wait3A_844 = arith.constant 6944 : i32
    %dma_wait3A_845 = tpu.memref_slice %arg7[%dma_wait3A_844] : memref<8736xf32, #tpu.memory_space<vmem>> -> memref<112xf32, #tpu.memory_space<vmem>>
    %dma_wait3A_846 = arith.constant 6944 : i32
    %dma_wait3A_847 = tpu.memref_slice %arg6[%dma_wait3A_846] : memref<8736xi32, #tpu.memory_space<vmem>> -> memref<112xi32, #tpu.memory_space<vmem>>
    %dma_wait3A_848 = arith.constant 0 : i32
    %dma_wait3A_849 = tpu.memref_slice %arg2[%dma_wait3A_848] : memref<22633344xf32, #tpu.memory_space<hbm>> -> memref<22633344xf32, #tpu.memory_space<hbm>>
    tpu.wait_indirect_dma semaphore(%arg8 : memref<!tpu.dma_semaphore, #tpu.memory_space<semaphore_mem>>) src(%dma_wait3A_849 : memref<22633344xf32, #tpu.memory_space<hbm>>) dst(%dma_wait3A_845 : memref<112xf32, #tpu.memory_space<vmem>>)
    %dma_wait3A_850 = arith.constant 7056 : i32
    %dma_wait3A_851 = tpu.memref_slice %arg7[%dma_wait3A_850] : memref<8736xf32, #tpu.memory_space<vmem>> -> memref<112xf32, #tpu.memory_space<vmem>>
    %dma_wait3A_852 = arith.constant 7056 : i32
    %dma_wait3A_853 = tpu.memref_slice %arg6[%dma_wait3A_852] : memref<8736xi32, #tpu.memory_space<vmem>> -> memref<112xi32, #tpu.memory_space<vmem>>
    %dma_wait3A_854 = arith.constant 0 : i32
    %dma_wait3A_855 = tpu.memref_slice %arg2[%dma_wait3A_854] : memref<22633344xf32, #tpu.memory_space<hbm>> -> memref<22633344xf32, #tpu.memory_space<hbm>>
    tpu.wait_indirect_dma semaphore(%arg8 : memref<!tpu.dma_semaphore, #tpu.memory_space<semaphore_mem>>) src(%dma_wait3A_855 : memref<22633344xf32, #tpu.memory_space<hbm>>) dst(%dma_wait3A_851 : memref<112xf32, #tpu.memory_space<vmem>>)
    %dma_wait3A_856 = arith.constant 7168 : i32
    %dma_wait3A_857 = tpu.memref_slice %arg7[%dma_wait3A_856] : memref<8736xf32, #tpu.memory_space<vmem>> -> memref<112xf32, #tpu.memory_space<vmem>>
    %dma_wait3A_858 = arith.constant 7168 : i32
    %dma_wait3A_859 = tpu.memref_slice %arg6[%dma_wait3A_858] : memref<8736xi32, #tpu.memory_space<vmem>> -> memref<112xi32, #tpu.memory_space<vmem>>
    %dma_wait3A_860 = arith.constant 0 : i32
    %dma_wait3A_861 = tpu.memref_slice %arg2[%dma_wait3A_860] : memref<22633344xf32, #tpu.memory_space<hbm>> -> memref<22633344xf32, #tpu.memory_space<hbm>>
    tpu.wait_indirect_dma semaphore(%arg8 : memref<!tpu.dma_semaphore, #tpu.memory_space<semaphore_mem>>) src(%dma_wait3A_861 : memref<22633344xf32, #tpu.memory_space<hbm>>) dst(%dma_wait3A_857 : memref<112xf32, #tpu.memory_space<vmem>>)
    %dma_wait3A_862 = arith.constant 7280 : i32
    %dma_wait3A_863 = tpu.memref_slice %arg7[%dma_wait3A_862] : memref<8736xf32, #tpu.memory_space<vmem>> -> memref<112xf32, #tpu.memory_space<vmem>>
    %dma_wait3A_864 = arith.constant 7280 : i32
    %dma_wait3A_865 = tpu.memref_slice %arg6[%dma_wait3A_864] : memref<8736xi32, #tpu.memory_space<vmem>> -> memref<112xi32, #tpu.memory_space<vmem>>
    %dma_wait3A_866 = arith.constant 0 : i32
    %dma_wait3A_867 = tpu.memref_slice %arg2[%dma_wait3A_866] : memref<22633344xf32, #tpu.memory_space<hbm>> -> memref<22633344xf32, #tpu.memory_space<hbm>>
    tpu.wait_indirect_dma semaphore(%arg8 : memref<!tpu.dma_semaphore, #tpu.memory_space<semaphore_mem>>) src(%dma_wait3A_867 : memref<22633344xf32, #tpu.memory_space<hbm>>) dst(%dma_wait3A_863 : memref<112xf32, #tpu.memory_space<vmem>>)
    %dma_wait3A_868 = arith.constant 7392 : i32
    %dma_wait3A_869 = tpu.memref_slice %arg7[%dma_wait3A_868] : memref<8736xf32, #tpu.memory_space<vmem>> -> memref<112xf32, #tpu.memory_space<vmem>>
    %dma_wait3A_870 = arith.constant 7392 : i32
    %dma_wait3A_871 = tpu.memref_slice %arg6[%dma_wait3A_870] : memref<8736xi32, #tpu.memory_space<vmem>> -> memref<112xi32, #tpu.memory_space<vmem>>
    %dma_wait3A_872 = arith.constant 0 : i32
    %dma_wait3A_873 = tpu.memref_slice %arg2[%dma_wait3A_872] : memref<22633344xf32, #tpu.memory_space<hbm>> -> memref<22633344xf32, #tpu.memory_space<hbm>>
    tpu.wait_indirect_dma semaphore(%arg8 : memref<!tpu.dma_semaphore, #tpu.memory_space<semaphore_mem>>) src(%dma_wait3A_873 : memref<22633344xf32, #tpu.memory_space<hbm>>) dst(%dma_wait3A_869 : memref<112xf32, #tpu.memory_space<vmem>>)
    %dma_wait3A_874 = arith.constant 7504 : i32
    %dma_wait3A_875 = tpu.memref_slice %arg7[%dma_wait3A_874] : memref<8736xf32, #tpu.memory_space<vmem>> -> memref<112xf32, #tpu.memory_space<vmem>>
    %dma_wait3A_876 = arith.constant 7504 : i32
    %dma_wait3A_877 = tpu.memref_slice %arg6[%dma_wait3A_876] : memref<8736xi32, #tpu.memory_space<vmem>> -> memref<112xi32, #tpu.memory_space<vmem>>
    %dma_wait3A_878 = arith.constant 0 : i32
    %dma_wait3A_879 = tpu.memref_slice %arg2[%dma_wait3A_878] : memref<22633344xf32, #tpu.memory_space<hbm>> -> memref<22633344xf32, #tpu.memory_space<hbm>>
    tpu.wait_indirect_dma semaphore(%arg8 : memref<!tpu.dma_semaphore, #tpu.memory_space<semaphore_mem>>) src(%dma_wait3A_879 : memref<22633344xf32, #tpu.memory_space<hbm>>) dst(%dma_wait3A_875 : memref<112xf32, #tpu.memory_space<vmem>>)
    %dma_wait3A_880 = arith.constant 7616 : i32
    %dma_wait3A_881 = tpu.memref_slice %arg7[%dma_wait3A_880] : memref<8736xf32, #tpu.memory_space<vmem>> -> memref<112xf32, #tpu.memory_space<vmem>>
    %dma_wait3A_882 = arith.constant 7616 : i32
    %dma_wait3A_883 = tpu.memref_slice %arg6[%dma_wait3A_882] : memref<8736xi32, #tpu.memory_space<vmem>> -> memref<112xi32, #tpu.memory_space<vmem>>
    %dma_wait3A_884 = arith.constant 0 : i32
    %dma_wait3A_885 = tpu.memref_slice %arg2[%dma_wait3A_884] : memref<22633344xf32, #tpu.memory_space<hbm>> -> memref<22633344xf32, #tpu.memory_space<hbm>>
    tpu.wait_indirect_dma semaphore(%arg8 : memref<!tpu.dma_semaphore, #tpu.memory_space<semaphore_mem>>) src(%dma_wait3A_885 : memref<22633344xf32, #tpu.memory_space<hbm>>) dst(%dma_wait3A_881 : memref<112xf32, #tpu.memory_space<vmem>>)
    %dma_wait3A_886 = arith.constant 7728 : i32
    %dma_wait3A_887 = tpu.memref_slice %arg7[%dma_wait3A_886] : memref<8736xf32, #tpu.memory_space<vmem>> -> memref<112xf32, #tpu.memory_space<vmem>>
    %dma_wait3A_888 = arith.constant 7728 : i32
    %dma_wait3A_889 = tpu.memref_slice %arg6[%dma_wait3A_888] : memref<8736xi32, #tpu.memory_space<vmem>> -> memref<112xi32, #tpu.memory_space<vmem>>
    %dma_wait3A_890 = arith.constant 0 : i32
    %dma_wait3A_891 = tpu.memref_slice %arg2[%dma_wait3A_890] : memref<22633344xf32, #tpu.memory_space<hbm>> -> memref<22633344xf32, #tpu.memory_space<hbm>>
    tpu.wait_indirect_dma semaphore(%arg8 : memref<!tpu.dma_semaphore, #tpu.memory_space<semaphore_mem>>) src(%dma_wait3A_891 : memref<22633344xf32, #tpu.memory_space<hbm>>) dst(%dma_wait3A_887 : memref<112xf32, #tpu.memory_space<vmem>>)
    %dma_wait3A_892 = arith.constant 7840 : i32
    %dma_wait3A_893 = tpu.memref_slice %arg7[%dma_wait3A_892] : memref<8736xf32, #tpu.memory_space<vmem>> -> memref<112xf32, #tpu.memory_space<vmem>>
    %dma_wait3A_894 = arith.constant 7840 : i32
    %dma_wait3A_895 = tpu.memref_slice %arg6[%dma_wait3A_894] : memref<8736xi32, #tpu.memory_space<vmem>> -> memref<112xi32, #tpu.memory_space<vmem>>
    %dma_wait3A_896 = arith.constant 0 : i32
    %dma_wait3A_897 = tpu.memref_slice %arg2[%dma_wait3A_896] : memref<22633344xf32, #tpu.memory_space<hbm>> -> memref<22633344xf32, #tpu.memory_space<hbm>>
    tpu.wait_indirect_dma semaphore(%arg8 : memref<!tpu.dma_semaphore, #tpu.memory_space<semaphore_mem>>) src(%dma_wait3A_897 : memref<22633344xf32, #tpu.memory_space<hbm>>) dst(%dma_wait3A_893 : memref<112xf32, #tpu.memory_space<vmem>>)
    %dma_wait3A_898 = arith.constant 7952 : i32
    %dma_wait3A_899 = tpu.memref_slice %arg7[%dma_wait3A_898] : memref<8736xf32, #tpu.memory_space<vmem>> -> memref<112xf32, #tpu.memory_space<vmem>>
    %dma_wait3A_900 = arith.constant 7952 : i32
    %dma_wait3A_901 = tpu.memref_slice %arg6[%dma_wait3A_900] : memref<8736xi32, #tpu.memory_space<vmem>> -> memref<112xi32, #tpu.memory_space<vmem>>
    %dma_wait3A_902 = arith.constant 0 : i32
    %dma_wait3A_903 = tpu.memref_slice %arg2[%dma_wait3A_902] : memref<22633344xf32, #tpu.memory_space<hbm>> -> memref<22633344xf32, #tpu.memory_space<hbm>>
    tpu.wait_indirect_dma semaphore(%arg8 : memref<!tpu.dma_semaphore, #tpu.memory_space<semaphore_mem>>) src(%dma_wait3A_903 : memref<22633344xf32, #tpu.memory_space<hbm>>) dst(%dma_wait3A_899 : memref<112xf32, #tpu.memory_space<vmem>>)
    %dma_wait3A_904 = arith.constant 8064 : i32
    %dma_wait3A_905 = tpu.memref_slice %arg7[%dma_wait3A_904] : memref<8736xf32, #tpu.memory_space<vmem>> -> memref<112xf32, #tpu.memory_space<vmem>>
    %dma_wait3A_906 = arith.constant 8064 : i32
    %dma_wait3A_907 = tpu.memref_slice %arg6[%dma_wait3A_906] : memref<8736xi32, #tpu.memory_space<vmem>> -> memref<112xi32, #tpu.memory_space<vmem>>
    %dma_wait3A_908 = arith.constant 0 : i32
    %dma_wait3A_909 = tpu.memref_slice %arg2[%dma_wait3A_908] : memref<22633344xf32, #tpu.memory_space<hbm>> -> memref<22633344xf32, #tpu.memory_space<hbm>>
    tpu.wait_indirect_dma semaphore(%arg8 : memref<!tpu.dma_semaphore, #tpu.memory_space<semaphore_mem>>) src(%dma_wait3A_909 : memref<22633344xf32, #tpu.memory_space<hbm>>) dst(%dma_wait3A_905 : memref<112xf32, #tpu.memory_space<vmem>>)
    %dma_wait3A_910 = arith.constant 8176 : i32
    %dma_wait3A_911 = tpu.memref_slice %arg7[%dma_wait3A_910] : memref<8736xf32, #tpu.memory_space<vmem>> -> memref<112xf32, #tpu.memory_space<vmem>>
    %dma_wait3A_912 = arith.constant 8176 : i32
    %dma_wait3A_913 = tpu.memref_slice %arg6[%dma_wait3A_912] : memref<8736xi32, #tpu.memory_space<vmem>> -> memref<112xi32, #tpu.memory_space<vmem>>
    %dma_wait3A_914 = arith.constant 0 : i32
    %dma_wait3A_915 = tpu.memref_slice %arg2[%dma_wait3A_914] : memref<22633344xf32, #tpu.memory_space<hbm>> -> memref<22633344xf32, #tpu.memory_space<hbm>>
    tpu.wait_indirect_dma semaphore(%arg8 : memref<!tpu.dma_semaphore, #tpu.memory_space<semaphore_mem>>) src(%dma_wait3A_915 : memref<22633344xf32, #tpu.memory_space<hbm>>) dst(%dma_wait3A_911 : memref<112xf32, #tpu.memory_space<vmem>>)
    %dma_wait3A_916 = arith.constant 8288 : i32
    %dma_wait3A_917 = tpu.memref_slice %arg7[%dma_wait3A_916] : memref<8736xf32, #tpu.memory_space<vmem>> -> memref<112xf32, #tpu.memory_space<vmem>>
    %dma_wait3A_918 = arith.constant 8288 : i32
    %dma_wait3A_919 = tpu.memref_slice %arg6[%dma_wait3A_918] : memref<8736xi32, #tpu.memory_space<vmem>> -> memref<112xi32, #tpu.memory_space<vmem>>
    %dma_wait3A_920 = arith.constant 0 : i32
    %dma_wait3A_921 = tpu.memref_slice %arg2[%dma_wait3A_920] : memref<22633344xf32, #tpu.memory_space<hbm>> -> memref<22633344xf32, #tpu.memory_space<hbm>>
    tpu.wait_indirect_dma semaphore(%arg8 : memref<!tpu.dma_semaphore, #tpu.memory_space<semaphore_mem>>) src(%dma_wait3A_921 : memref<22633344xf32, #tpu.memory_space<hbm>>) dst(%dma_wait3A_917 : memref<112xf32, #tpu.memory_space<vmem>>)
    %dma_wait3A_922 = arith.constant 8400 : i32
    %dma_wait3A_923 = tpu.memref_slice %arg7[%dma_wait3A_922] : memref<8736xf32, #tpu.memory_space<vmem>> -> memref<112xf32, #tpu.memory_space<vmem>>
    %dma_wait3A_924 = arith.constant 8400 : i32
    %dma_wait3A_925 = tpu.memref_slice %arg6[%dma_wait3A_924] : memref<8736xi32, #tpu.memory_space<vmem>> -> memref<112xi32, #tpu.memory_space<vmem>>
    %dma_wait3A_926 = arith.constant 0 : i32
    %dma_wait3A_927 = tpu.memref_slice %arg2[%dma_wait3A_926] : memref<22633344xf32, #tpu.memory_space<hbm>> -> memref<22633344xf32, #tpu.memory_space<hbm>>
    tpu.wait_indirect_dma semaphore(%arg8 : memref<!tpu.dma_semaphore, #tpu.memory_space<semaphore_mem>>) src(%dma_wait3A_927 : memref<22633344xf32, #tpu.memory_space<hbm>>) dst(%dma_wait3A_923 : memref<112xf32, #tpu.memory_space<vmem>>)
    %dma_wait3A_928 = arith.constant 8512 : i32
    %dma_wait3A_929 = tpu.memref_slice %arg7[%dma_wait3A_928] : memref<8736xf32, #tpu.memory_space<vmem>> -> memref<112xf32, #tpu.memory_space<vmem>>
    %dma_wait3A_930 = arith.constant 8512 : i32
    %dma_wait3A_931 = tpu.memref_slice %arg6[%dma_wait3A_930] : memref<8736xi32, #tpu.memory_space<vmem>> -> memref<112xi32, #tpu.memory_space<vmem>>
    %dma_wait3A_932 = arith.constant 0 : i32
    %dma_wait3A_933 = tpu.memref_slice %arg2[%dma_wait3A_932] : memref<22633344xf32, #tpu.memory_space<hbm>> -> memref<22633344xf32, #tpu.memory_space<hbm>>
    tpu.wait_indirect_dma semaphore(%arg8 : memref<!tpu.dma_semaphore, #tpu.memory_space<semaphore_mem>>) src(%dma_wait3A_933 : memref<22633344xf32, #tpu.memory_space<hbm>>) dst(%dma_wait3A_929 : memref<112xf32, #tpu.memory_space<vmem>>)
    %dma_wait3A_934 = arith.constant 8624 : i32
    %dma_wait3A_935 = tpu.memref_slice %arg7[%dma_wait3A_934] : memref<8736xf32, #tpu.memory_space<vmem>> -> memref<112xf32, #tpu.memory_space<vmem>>
    %dma_wait3A_936 = arith.constant 8624 : i32
    %dma_wait3A_937 = tpu.memref_slice %arg6[%dma_wait3A_936] : memref<8736xi32, #tpu.memory_space<vmem>> -> memref<112xi32, #tpu.memory_space<vmem>>
    %dma_wait3A_938 = arith.constant 0 : i32
    %dma_wait3A_939 = tpu.memref_slice %arg2[%dma_wait3A_938] : memref<22633344xf32, #tpu.memory_space<hbm>> -> memref<22633344xf32, #tpu.memory_space<hbm>>
    tpu.wait_indirect_dma semaphore(%arg8 : memref<!tpu.dma_semaphore, #tpu.memory_space<semaphore_mem>>) src(%dma_wait3A_939 : memref<22633344xf32, #tpu.memory_space<hbm>>) dst(%dma_wait3A_935 : memref<112xf32, #tpu.memory_space<vmem>>)
    "tpu.region"() ({
      %run_scoped3A = tpu.sem_alloc : memref<!tpu.dma_semaphore, #tpu.memory_space<semaphore_mem>>
      %dma_start3A_940 = arith.constant 0 : i32
      %dma_start3A_941 = tpu.memref_slice %arg4[%add3A, %dma_start3A_940] : memref<32x8736xf32, #tpu.memory_space<hbm>> -> memref<1x8736xf32, #tpu.memory_space<hbm>>
      %dma_start3A_942 = tpu.memref_squeeze %dma_start3A_941 : memref<1x8736xf32, #tpu.memory_space<hbm>> -> memref<8736xf32, #tpu.memory_space<hbm>>
      %dma_start3A_943 = arith.constant 0 : i32
      %dma_start3A_944 = tpu.memref_slice %arg4[%add3A, %dma_start3A_943] : memref<32x8736xf32, #tpu.memory_space<hbm>> -> memref<1x8736xf32, #tpu.memory_space<hbm>>
      %dma_start3A_945 = tpu.memref_squeeze %dma_start3A_944 : memref<1x8736xf32, #tpu.memory_space<hbm>> -> memref<8736xf32, #tpu.memory_space<hbm>>
      tpu.enqueue_dma source(%arg7 : memref<8736xf32, #tpu.memory_space<vmem>>) target(%dma_start3A_945 : memref<8736xf32, #tpu.memory_space<hbm>>) target_semaphore(%run_scoped3A : memref<!tpu.dma_semaphore, #tpu.memory_space<semaphore_mem>>)
      %dma_wait3A_946 = arith.constant 0 : i32
      %dma_wait3A_947 = tpu.memref_slice %arg4[%add3A, %dma_wait3A_946] : memref<32x8736xf32, #tpu.memory_space<hbm>> -> memref<1x8736xf32, #tpu.memory_space<hbm>>
      %dma_wait3A_948 = tpu.memref_squeeze %dma_wait3A_947 : memref<1x8736xf32, #tpu.memory_space<hbm>> -> memref<8736xf32, #tpu.memory_space<hbm>>
      %dma_wait3A_949 = arith.constant 0 : i32
      %dma_wait3A_950 = tpu.memref_slice %arg4[%add3A, %dma_wait3A_949] : memref<32x8736xf32, #tpu.memory_space<hbm>> -> memref<1x8736xf32, #tpu.memory_space<hbm>>
      %dma_wait3A_951 = tpu.memref_squeeze %dma_wait3A_950 : memref<1x8736xf32, #tpu.memory_space<hbm>> -> memref<8736xf32, #tpu.memory_space<hbm>>
      tpu.wait_dma2 semaphore(%run_scoped3A : memref<!tpu.dma_semaphore, #tpu.memory_space<semaphore_mem>>) src(%arg7 : memref<8736xf32, #tpu.memory_space<vmem>>) dst(%dma_wait3A_951 : memref<8736xf32, #tpu.memory_space<hbm>>)
      tpu.yield
    }) : () -> ()
    return
  }
}

</mosaic_0001>

<sc_bundles>
// kernel: kernel.3.cloned.1.call-start
scs
__scs_entry_jumppad:
0x0: {  	(pc) =	sbr.rel $0x88, $3  }
0x1: {  	(tag) =	ssettag $0x0;
	lr =	simm.s32 $0x1  }
0x2: {  	[smem:$0x3F9F] =	sst lr;
	_ =	strace $0xD0000000  }
0x3: {  	_ = 	snop  }
0x4: {  	_ = 	snop  }
0x5: {  	_ = 	snop  }
0x6: {  	_ = 	snop  }
0x7: {  	_ = 	snop  }
__scs_overlays_trampoline_lowered:
0x8: {  	[smem:$0x3FAE] =	sst s0  }
0x9: {  	[smem:$0x3FAF] =	sst s1  }
0xa: {  	[smem:$0x3FB0] =	sst s2  }
0xb: {  	[smem:$0x3FB1] =	sst s3  }
0xc: {  	[smem:$0x3FB2] =	sst s4  }
0xd: {  	[smem:$0x3FB3] =	sst s5  }
0xe: {  	[smem:$0x3FB4] =	sst s6  }
0xf: {  	[smem:$0x3FB5] =	sst s7  }
0x10: {  	[smem:$0x3FB6] =	sst s8  }
0x11: {  	[smem:$0x3FB7] =	sst s9;
	s0 =	simm.s32 @!p0 $0x0  }
0x12: {  	s1 =	sld [smem:$0x3F9D];
	s0 =	simm.s32 @p0 $0x1  }
0x13: {  	[smem:$0x3FB8] =	sst s0;
	s0 =	simm.s32 @!p1 $0x0  }
0x14: {  	s2 =	sld [smem:$0x3F9C];
	s0 =	simm.s32 @p1 $0x1  }
0x15: {  	[smem:$0x3FB9] =	sst s0;
	s0 =	simm.s32 @!p2 $0x0  }
0x16: {  	s3 =	sld [smem:$0x3FDB];
	s0 =	simm.s32 @p2 $0x1  }
0x17: {  	s4 =	simm.s32 $0x1BF5;
	[smem:$0x3FBB] =	sst s0  }
0x18: {  	s0 =	sld [smem:$0x3F9E];
	_ =	swait.ge [sflag:s4], $0x0  }
0x19: {  	s7 =	sld [smem:$0x3F9F]  }
0x1a: {  	s8 =	sadd.s32 $0xFFFFE003, lr  }
0x1b: {  	s9 =	sadd.s32 $0xFFFFFEF7, lr;
	s5 =	simm.s32 $0xFFFFFFFF;
	p2 =	slt.u32 s8, $0xFFFFF086  }
0x1c: {  	p1 =	slt.u32 s9, $0xF7A;
	s5 =	simm.s32 @!p2 $0x0  }
0x1d: {  	s5 =	simm.s32 @p1 $0x1;
	p0 =	seq.s32 s7, s2  }
0x1e: {  	s7 =	smul.u32 @!p0 $0xF7A, s2;
	p2 =	seq.s32 @!p0 s5, $0x0  }
0x1f: {  	s9 =	smul.u32 $0xF7A, s1;
	s8 =	simm.s32 @!p0 $0x1BF5;
	p2 =	por !p2, p0  }
0x20: {  	[sflag:s8] =	ssyncset.s32 @!p0 $0xFFFFF086;
	s6 =	sadd.s32 @!p0 s3, s7;
	s7 =	simm.s32 @!p0 $0x108  }
0x21: {  	s3 =	sadd.s32 s3, s9;
	s6 =	sadd.s32 @!p0 $0x88, s6;
	s7 =	simm.s32 @p2 $0x1082  }
0x22: {  	[simem:s7], [sflag:s8] =	dma.local @!p0 [hbm:s6], $0xF7A  }
0x23: {  	s9 =	sor.u32 $0xD0000000, s2;
	s6 =	simm.s32 $0x108;
	_ =	swait.ge @!p0 [sflag:s8], $0x0  }
0x24: {  	s3 =	sadd.s32 $0x88, s3;
	s6 =	simm.s32 @!p1 $0x1082;
	[sflag:s4] =	ssyncset.s32 $0xFFFFF086  }
0x25: {  	[simem:s6], [sflag:s4] =	dma.local [hbm:s3], $0xF7A  }
0x26: {  	[smem:$0x3F9F] =	sst s1;
	(tag) =	ssettag s2;
	_ =	strace s9  }
0x27: {  	s1 =	sld [smem:$0x3FAF]  }
0x28: {  	s2 =	sld [smem:$0x3FB0]  }
0x29: {  	s4 =	sld [smem:$0x3FB2]  }
0x2a: {  	p0 =	seq.s32 s5, $0x0;
	s5 =	sld [smem:$0x3FB3]  }
0x2b: {  	s6 =	sld [smem:$0x3FB4]  }
0x2c: {  	s7 =	sld [smem:$0x3FB5]  }
0x2d: {  	s3 =	simm.s32 $0x108;
	s8 =	sld [smem:$0x3FB6]  }
0x2e: {  	s3 =	simm.s32 @!p0 $0x1082;
	s9 =	sld [smem:$0x3FB7]  }
0x2f: {  	lr =	sadd.s32 s0, s3;
	s0 =	sld [smem:$0x3FAE]  }
0x30: {  	s3 =	sld [smem:$0x3FB1]  }
0x31: {  	[smem:$0x3FBA] =	sst s10  }
0x32: {  	s10 =	sld [smem:$0x3FB8];
	_ =	sdelay $0x3  }
0x33: {  	p0 =	seq.s32 s10, $0x1;
	s10 =	sld [smem:$0x3FBA];
	_ =	sdelay $0x3  }
0x34: {  	[smem:$0x3FBA] =	sst s10  }
0x35: {  	s10 =	sld [smem:$0x3FB9];
	_ =	sdelay $0x3  }
0x36: {  	p1 =	seq.s32 s10, $0x1;
	s10 =	sld [smem:$0x3FBA];
	_ =	sdelay $0x3  }
0x37: {  	[smem:$0x3FBA] =	sst s10  }
0x38: {  	s10 =	sld [smem:$0x3FBB]  }
0x39: {  	_ = 	snop;
	(pc) =	sbr.ind lr, $3  }
0x3a: {  	_ = 	snop  }
0x3b: {  	_ = 	snop  }
0x3c: {  	p2 =	seq.s32 s10, $0x1;
	s10 =	sld [smem:$0x3FBA]  }
0x3d: {  	_ =	shalt  }
0x3e: {  	_ =	shalt  }
0x3f: {  	_ =	shalt  }
0x40: {  	_ =	shalt  }
0x41: {  	_ =	shalt  }
0x42: {  	_ =	shalt  }
0x43: {  	_ =	shalt  }
0x44: {  	_ =	shalt  }
0x45: {  	_ =	shalt  }
0x46: {  	_ =	shalt  }
0x47: {  	_ =	shalt  }
0x48: {  	_ =	shalt  }
0x49: {  	_ =	shalt  }
0x4a: {  	_ =	shalt  }
0x4b: {  	_ =	shalt  }
0x4c: {  	_ =	shalt  }
0x4d: {  	_ =	shalt  }
0x4e: {  	_ =	shalt  }
0x4f: {  	_ =	shalt  }
0x50: {  	_ =	shalt  }
0x51: {  	_ =	shalt  }
0x52: {  	_ =	shalt  }
0x53: {  	_ =	shalt  }
0x54: {  	_ =	shalt  }
0x55: {  	_ =	shalt  }
0x56: {  	_ =	shalt  }
0x57: {  	_ =	shalt  }
0x58: {  	_ =	shalt  }
0x59: {  	_ =	shalt  }
0x5a: {  	_ =	shalt  }
0x5b: {  	_ =	shalt  }
0x5c: {  	_ =	shalt  }
0x5d: {  	_ =	shalt  }
0x5e: {  	_ =	shalt  }
0x5f: {  	_ =	shalt  }
0x60: {  	_ =	shalt  }
0x61: {  	_ =	shalt  }
0x62: {  	_ =	shalt  }
0x63: {  	_ =	shalt  }
0x64: {  	_ =	shalt  }
0x65: {  	_ =	shalt  }
0x66: {  	_ =	shalt  }
0x67: {  	_ =	shalt  }
0x68: {  	_ =	shalt  }
0x69: {  	_ =	shalt  }
0x6a: {  	_ =	shalt  }
0x6b: {  	_ =	shalt  }
0x6c: {  	_ =	shalt  }
0x6d: {  	_ =	shalt  }
0x6e: {  	_ =	shalt  }
0x6f: {  	_ =	shalt  }
0x70: {  	_ =	shalt  }
0x71: {  	_ =	shalt  }
0x72: {  	_ =	shalt  }
0x73: {  	_ =	shalt  }
0x74: {  	_ =	shalt  }
0x75: {  	_ =	shalt  }
0x76: {  	_ =	shalt  }
0x77: {  	_ =	shalt  }
0x78: {  	_ =	shalt  }
0x79: {  	_ =	shalt  }
0x7a: {  	_ =	shalt  }
0x7b: {  	_ =	shalt  }
0x7c: {  	_ =	shalt  }
0x7d: {  	_ =	shalt  }
0x7e: {  	_ =	shalt  }
0x7f: {  	_ =	shalt  }
0x80: {  	_ =	shalt  }
0x81: {  	_ =	shalt  }
0x82: {  	_ =	shalt  }
0x83: {  	_ =	shalt  }
0x84: {  	_ =	shalt  }
0x85: {  	_ =	shalt  }
0x86: {  	_ =	shalt  }
0x87: {  	_ =	shalt  }
.Lfunc_end0:
.L_simem_size_0:
called_computation_lowered:
.L_overlay_start_0:
0x88: {  	s2 =	sld [smem:$0x3FD9]  }
0x89: {  	s3 =	sld [smem:$0x3FFE];
	_ =	sdelay $0x1  }
0x8a: {  	s1 =	srdreg.scid  }
0x8b: {  	s0 =	sand.u32 $0x1, s1  }
0x8c: {  	s16 =	sshll.u32 s0, $0xA;
	s2 =	sadd.s32 s3, s2  }
0x8d: {  	s2 =	sadd.s32 s2, s16  }
0x8e: {  	[smem:$0x3FC6] =	sst s2  }
0x8f: {  	_ = 	snop  }
0x90: {  	(tm) =	ssettm $0x1  }
0x91: {  	s17 =	sld [smem:$0x3FFB];
	_ =	sdelay $0x3  }
0x92: {  	_ =	strace s17  }
0x93: {  	s2 =	sld [smem:$0x3FFC];
	_ =	sdelay $0x3  }
0x94: {  	_ =	strace s2  }
0x95: {  	s2 =	sld [smem:$0x3FFD];
	_ =	sdelay $0x3  }
0x96: {  	_ =	strace s2  }
0x97: {  	_ =	strace $0x8FFFFFFF  }
0x98: {  	s18 =	sld [smem:$0x3FDB];
	_ =	sdelay $0x1  }
0x99: {  	s19 =	simm.s32 $_scs_section_size  }
0x9a: {  	s4 =	simm.s32 $_size__tile_overlayer_lowered;
	s5 =	simm.s32 $_tile_overlayer_lowered  }
0x9b: {  	s22 =	simm.s32 $0x1BFF;
	s21 =	sshll.u32 s5, $0x1;
	s2 =	sadd.s32 s19, s18  }
0x9c: {  	s6 =	simm.s32 $0x0;
	s20 =	sshll.u32 s4, $0x1;
	s4 =	sadd.s32 s21, s2  }
0x9d: {  	[timem:s6], [sflag:s22] =	dma.local [hbm:s4], s20  }
0x9e: {  	_ =	swait.ge [sflag:s22], s20  }
0x9f: {  	s3 =	ssub.s32 $0x0, s20;
	[sflag:s22] =	ssyncset.done $0x0  }
0xa0: {  	[sflag:s22] =	ssyncadd.s32 s3;
	_ =	sdelay $0x1  }
0xa1: {  	s23 =	simm.s32 $0x1B8B  }
0xa2: {  	_ =	swait.ge [sflag:s23], $0x1  }
0xa3: {  	[sflag:s23] =	ssyncset.done $0x0  }
0xa4: {  	s25 =	simm.s32 $0x1B8E;
	s24 =	sld [smem:$0x3FFE];
	[sflag:s23] =	ssyncadd.s32 $0xFFFFFFFF  }
0xa5: {  	s26 =	simm.s32 $execute0_lowered;
	[smem:$0x3FD2] =	sst s25  }
0xa6: {  	s4 =	sshll.u32 s26, $0x1;
	_ =	strace $0x80000046;
	[dreg:$0x1] =	wrdreg $0xFFFFFFFF  }
0xa7: {  	s28 =	simm.s32 $_size_execute0_lowered;
	s2 =	sadd.s32 s2, s4;
	[dreg:$0x0] =	wrdreg $0x0  }
0xa8: {  	s4 =	sshll.u32 s28, $0x1;
	[dreg:$0x2] =	wrdreg s2  }
0xa9: {  	[dreg:$0x3] =	wrdreg s4  }
0xaa: {  	[dreg:$0x4] =	wrdreg $0xC0  }
0xab: {  	_ =	task [dreg:s6], $0x5FFFF  }
0xac: {  	[dreg:$0x1] =	wrdreg $0xFFFFFFFF  }
0xad: {  	[dreg:$0x0] =	wrdreg $0x60  }
0xae: {  	[dreg:$0x2] =	wrdreg s24  }
0xaf: {  	[dreg:$0x3] =	wrdreg $0x9  }
0xb0: {  	_ =	task.clear_ibuf [dreg:s6], $0x4FFFF;
	_ =	strace $0x90000046  }
0xb1: {  	s29 =	simm.s32 $0x9;
	_ =	strace $0x80000048  }
0xb2: {  	_ =	swait.ge [sflag:s29], $0x1  }
0xb3: {  	[sflag:s29] =	ssyncadd.s32 $0xFFFFFFFF  }
0xb4: {  	_ =	strace $0x90000048  }
0xb5: {  	_ =	sfence  }
0xb6: {  	s30 =	sld [smem:$0x0];
	_ =	sdelay $0x2  }
0xb7: {  	s31 =	sshll.u32 s1, $0xD;
	s1 =	sshrl.u32 s1, $0x2  }
0xb8: {  	s3 =	sand.u32 $0x4000, s31;
	s1 =	sadd.s32 s1, s30  }
0xb9: {  	s0 =	sor.u32 s3, s0;
	s1 =	sshll.u32 s1, $0x11  }
0xba: {  	s0 =	sor.u32 s1, s0  }
0xbb: {  	s0 =	sadd.s32 $0x8F2B, s0  }
0xbc: {  	[sflag:s0] =	ssyncadd.remote.s32 $0x1  }
0xbd: {  	_ =	sfence.sel $0xFFFF  }
0xbe: {  	[dreg:$0x0] =	wrdreg $0xFFFFFFFF;
	(pc) =	sbr.abs _section_cstart, $3  }
0xbf: {  	[dreg:$0x1] =	wrdreg $0xFFFFFFFF  }
0xc0: {  	_ =	task.clear_ibuf [dreg:s6], $0x2FFFF;
	_ =	strace $0x9FFFFFFF  }
0xc1: {  	(tm) =	ssettm $0x7FFFFFFF  }
tec
execute0_lowered:
.L_overlay_start_1:
0x0: {  	(tag) =	ssettag $0x1  }
0x1: {  	s0 =	srdreg.scid  }
0x2: {  	s2 =	stileid.u32;
	s4 =	rddreg [dreg:$0x0];
	s7 =	simm.s32 $0x80  }
0x3: {  	s8 =	simm.s32 $0x400;
	s9 =	simm.s32 $0x2;
	s10 =	simm.s32 $0x70  }
0x4: {  	s11 =	simm.s32 $0x2280;
	s12 =	simm.s32 $0x4500;
	s13 =	simm.s32 $0x4190  }
0x5: {  	s14 =	simm.s32 $0x6410;
	s15 =	simm.s32 $0x4200;
	s16 =	simm.s32 $0x6480  }
0x6: {  	s17 =	simm.s32 $0x4270;
	s18 =	simm.s32 $0x64F0;
	s19 =	simm.s32 $0x42E0  }
0x7: {  	s20 =	simm.s32 $0x6560;
	s21 =	simm.s32 $0x4350;
	s22 =	simm.s32 $0x65D0  }
0x8: {  	s23 =	simm.s32 $0x43C0;
	s24 =	simm.s32 $0x6640;
	s25 =	simm.s32 $0x4430  }
0x9: {  	s28 =	simm.s32 $0x1;
	s0 =	sand.u32 $0x1, s0;
	s1 =	sshll.u32 s2, $0x1  }
0xa: {  	s29 =	simm.s32 $0x0;
	s2 =	sshrl.u32 s2, $0x2;
	s1 =	sor.u32 s0, s1  }
0xb: {  	s3 =	smul.u32 $0x11400, s2;
	s2 =	simm.s32 $0x0;
	s30 =	sshll.u32 s1, $0x7  }
0xc: {  	s0 =	ssub.s32 $0x2, s0;
	[smem:$0x7FF] =	sst s2;
	s5 =	sand.u32 $0x380, s30  }
0xd: {  	s6 =	sshrl.u32 s0, $0x1;
	s26 =	smul.u32 $0x221C, s1;
	s3 =	sor.u32 s3, s5  }
0xe: {  	_ =	strace $0x80000047;
	s0 =	ssub.s32 s0, s6;
	s3 =	sshrl.u32 s3, $0x3  }
0xf: {  	s6 =	smax.u32 s0, $0x1;
	v0 =	vmov s26;
	s26 =	simm.s32 $0x66B0;
	s31 =	sadd.s32 s3, s4  }
0x10: {  	v1 =	vlaneseq.u32;
	s3 =	sadd.s32 $0xA00, s4;
	s4 =	sadd.s32 $0x2B3600, s31;
	s5 =	sadd.s32 $0x2BC000, s31  }
.LBB2_1:
0x11: {  	[tilespmem:s2], [sflag:$0x2] =	stream.strided.gather [hbm4b:s4+s7], $0x2280, s8, s7, $0x38;
	[tilespmem:$0x6780] =	vst v63  }
0x12: {  	_ =	swait.ge [sflag:s9], $0x2280  }
0x13: {  	[sflag:s9] =	ssyncset.done $0x0  }
0x14: {  	[sflag:s9] =	ssyncadd.s32 $0xFFFFDD80  }
0x15: {  	v2 =	vld [tilespmem:s2+$0x0]  }
0x16: {  	v3 =	vor.u32 s2, v1  }
0x17: {  	v4 =	vadd.s32 v0, v3  }
0x18: {  	v4 =	vmul.u32 $0x51, v4;
	_ =	sdelay $0x1  }
0x19: {  	vm0 =	vlt.u32 v3, $0x221C;
	v2 =	vadd.s32 v4, v2  }
0x1a: {  	v2 =	vnsel vm0, $0x0, v2  }
0x1b: {  	s31 =	simm.s32 $0x10;
	[tilespmem:s11+$0x0] =	vst v2  }
0x1c: {  	s1 =	simm.s32 $0x20;
	s30 =	simm.s32 $0x2280;
	s0 =	simm.s32 $0x10;
	v2 =	vld [tilespmem:s31+$0x0]  }
.LBB2_2:
0x1d: {  	p0 =	sne.s32 s1, $0x2210;
	v3 =	vor.u32 s31, v1;
	s31 =	smov.u32 s1  }
0x1e: {  	v4 =	vadd.s32 v0, v3  }
0x1f: {  	v4 =	vmul.u32 $0x51, v4  }
.Ltmp0:
0x20: {  	(pc) =	sbr.rel @p0 .LBB2_2-.Ltmp0, $4  }
0x21: {  	vm0 =	vlt.u32 v3, $0x221C;
	v2 =	vadd.s32 v4, v2  }
0x22: {  	s30 =	sadd.s32 $0x10, s30;
	v2 =	vnsel vm0, $0x0, v2  }
0x23: {  	s0 =	sadd.s32 $0x10, s0;
	[tilespmem:s30+$0x0] =	vst v2  }
0x24: {  	s1 =	sadd.s32 $0x10, s1;
	v2 =	vld [tilespmem:s0+$0x0]  }
0x25: {  	v3 =	vor.u32 s31, v1  }
0x26: {  	v4 =	vadd.s32 v0, v3  }
0x27: {  	v4 =	vmul.u32 $0x51, v4;
	_ =	sdelay $0x1  }
0x28: {  	vm0 =	vlt.u32 v3, $0x221C;
	v2 =	vadd.s32 v4, v2  }
0x29: {  	s0 =	sadd.s32 $0x10, s30;
	v2 =	vnsel vm0, $0x0, v2  }
0x2a: {  	[tilespmem:s0+$0x0] =	vst v2  }
0x2b: {  	[tilespmem:s12], [sflag:$0x1] =	stream.indirect.gather [hbm4b:s3+s10], $0x1, s11, s10, $0xb8;
	[tilespmem:$0x6780] =	vst v63  }
0x2c: {  	s31 =	simm.s32 $0x22F0;
	s1 =	simm.s32 $0x4570  }
0x2d: {  	[tilespmem:s1], [sflag:$0x1] =	stream.indirect.gather [hbm4b:s3+s10], $0x1, s31, s10, $0xb8;
	[tilespmem:$0x6780] =	vst v63  }
0x2e: {  	s30 =	simm.s32 $0x2360;
	s31 =	simm.s32 $0x45E0  }
0x2f: {  	[tilespmem:s31], [sflag:$0x1] =	stream.indirect.gather [hbm4b:s3+s10], $0x1, s30, s10, $0xb8;
	[tilespmem:$0x6780] =	vst v63  }
0x30: {  	s30 =	simm.s32 $0x23D0;
	s31 =	simm.s32 $0x4650  }
0x31: {  	[tilespmem:s31], [sflag:$0x1] =	stream.indirect.gather [hbm4b:s3+s10], $0x1, s30, s10, $0xb8;
	[tilespmem:$0x6780] =	vst v63  }
0x32: {  	s30 =	simm.s32 $0x2440;
	s31 =	simm.s32 $0x46C0  }
0x33: {  	[tilespmem:s31], [sflag:$0x1] =	stream.indirect.gather [hbm4b:s3+s10], $0x1, s30, s10, $0xb8;
	[tilespmem:$0x6780] =	vst v63  }
0x34: {  	s30 =	simm.s32 $0x24B0;
	s31 =	simm.s32 $0x4730  }
0x35: {  	[tilespmem:s31], [sflag:$0x1] =	stream.indirect.gather [hbm4b:s3+s10], $0x1, s30, s10, $0xb8;
	[tilespmem:$0x6780] =	vst v63  }
0x36: {  	s30 =	simm.s32 $0x2520;
	s31 =	simm.s32 $0x47A0  }
0x37: {  	[tilespmem:s31], [sflag:$0x1] =	stream.indirect.gather [hbm4b:s3+s10], $0x1, s30, s10, $0xb8;
	[tilespmem:$0x6780] =	vst v63  }
0x38: {  	s30 =	simm.s32 $0x2590;
	s31 =	simm.s32 $0x4810  }
0x39: {  	[tilespmem:s31], [sflag:$0x1] =	stream.indirect.gather [hbm4b:s3+s10], $0x1, s30, s10, $0xb8;
	[tilespmem:$0x6780] =	vst v63  }
0x3a: {  	s30 =	simm.s32 $0x2600;
	s31 =	simm.s32 $0x4880  }
0x3b: {  	[tilespmem:s31], [sflag:$0x1] =	stream.indirect.gather [hbm4b:s3+s10], $0x1, s30, s10, $0xb8;
	[tilespmem:$0x6780] =	vst v63  }
0x3c: {  	s30 =	simm.s32 $0x2670;
	s31 =	simm.s32 $0x48F0  }
0x3d: {  	[tilespmem:s31], [sflag:$0x1] =	stream.indirect.gather [hbm4b:s3+s10], $0x1, s30, s10, $0xb8;
	[tilespmem:$0x6780] =	vst v63  }
0x3e: {  	s30 =	simm.s32 $0x26E0;
	s31 =	simm.s32 $0x4960  }
0x3f: {  	[tilespmem:s31], [sflag:$0x1] =	stream.indirect.gather [hbm4b:s3+s10], $0x1, s30, s10, $0xb8;
	[tilespmem:$0x6780] =	vst v63  }
0x40: {  	s30 =	simm.s32 $0x2750;
	s31 =	simm.s32 $0x49D0  }
0x41: {  	[tilespmem:s31], [sflag:$0x1] =	stream.indirect.gather [hbm4b:s3+s10], $0x1, s30, s10, $0xb8;
	[tilespmem:$0x6780] =	vst v63  }
0x42: {  	s30 =	simm.s32 $0x27C0;
	s31 =	simm.s32 $0x4A40  }
0x43: {  	[tilespmem:s31], [sflag:$0x1] =	stream.indirect.gather [hbm4b:s3+s10], $0x1, s30, s10, $0xb8;
	[tilespmem:$0x6780] =	vst v63  }
0x44: {  	s30 =	simm.s32 $0x2830;
	s31 =	simm.s32 $0x4AB0  }
0x45: {  	[tilespmem:s31], [sflag:$0x1] =	stream.indirect.gather [hbm4b:s3+s10], $0x1, s30, s10, $0xb8;
	[tilespmem:$0x6780] =	vst v63  }
0x46: {  	s30 =	simm.s32 $0x28A0;
	s31 =	simm.s32 $0x4B20  }
0x47: {  	[tilespmem:s31], [sflag:$0x1] =	stream.indirect.gather [hbm4b:s3+s10], $0x1, s30, s10, $0xb8;
	[tilespmem:$0x6780] =	vst v63  }
0x48: {  	s30 =	simm.s32 $0x2910;
	s31 =	simm.s32 $0x4B90  }
0x49: {  	[tilespmem:s31], [sflag:$0x1] =	stream.indirect.gather [hbm4b:s3+s10], $0x1, s30, s10, $0xb8;
	[tilespmem:$0x6780] =	vst v63  }
0x4a: {  	s30 =	simm.s32 $0x2980;
	s31 =	simm.s32 $0x4C00  }
0x4b: {  	[tilespmem:s31], [sflag:$0x1] =	stream.indirect.gather [hbm4b:s3+s10], $0x1, s30, s10, $0xb8;
	[tilespmem:$0x6780] =	vst v63  }
0x4c: {  	s30 =	simm.s32 $0x29F0;
	s31 =	simm.s32 $0x4C70  }
0x4d: {  	[tilespmem:s31], [sflag:$0x1] =	stream.indirect.gather [hbm4b:s3+s10], $0x1, s30, s10, $0xb8;
	[tilespmem:$0x6780] =	vst v63  }
0x4e: {  	s30 =	simm.s32 $0x2A60;
	s31 =	simm.s32 $0x4CE0  }
0x4f: {  	[tilespmem:s31], [sflag:$0x1] =	stream.indirect.gather [hbm4b:s3+s10], $0x1, s30, s10, $0xb8;
	[tilespmem:$0x6780] =	vst v63  }
0x50: {  	s30 =	simm.s32 $0x2AD0;
	s31 =	simm.s32 $0x4D50  }
0x51: {  	[tilespmem:s31], [sflag:$0x1] =	stream.indirect.gather [hbm4b:s3+s10], $0x1, s30, s10, $0xb8;
	[tilespmem:$0x6780] =	vst v63  }
0x52: {  	s30 =	simm.s32 $0x2B40;
	s31 =	simm.s32 $0x4DC0  }
0x53: {  	[tilespmem:s31], [sflag:$0x1] =	stream.indirect.gather [hbm4b:s3+s10], $0x1, s30, s10, $0xb8;
	[tilespmem:$0x6780] =	vst v63  }
0x54: {  	s30 =	simm.s32 $0x2BB0;
	s31 =	simm.s32 $0x4E30  }
0x55: {  	[tilespmem:s31], [sflag:$0x1] =	stream.indirect.gather [hbm4b:s3+s10], $0x1, s30, s10, $0xb8;
	[tilespmem:$0x6780] =	vst v63  }
0x56: {  	s30 =	simm.s32 $0x2C20;
	s31 =	simm.s32 $0x4EA0  }
0x57: {  	[tilespmem:s31], [sflag:$0x1] =	stream.indirect.gather [hbm4b:s3+s10], $0x1, s30, s10, $0xb8;
	[tilespmem:$0x6780] =	vst v63  }
0x58: {  	s30 =	simm.s32 $0x2C90;
	s31 =	simm.s32 $0x4F10  }
0x59: {  	[tilespmem:s31], [sflag:$0x1] =	stream.indirect.gather [hbm4b:s3+s10], $0x1, s30, s10, $0xb8;
	[tilespmem:$0x6780] =	vst v63  }
0x5a: {  	s30 =	simm.s32 $0x2D00;
	s31 =	simm.s32 $0x4F80  }
0x5b: {  	[tilespmem:s31], [sflag:$0x1] =	stream.indirect.gather [hbm4b:s3+s10], $0x1, s30, s10, $0xb8;
	[tilespmem:$0x6780] =	vst v63  }
0x5c: {  	s30 =	simm.s32 $0x2D70;
	s31 =	simm.s32 $0x4FF0  }
0x5d: {  	[tilespmem:s31], [sflag:$0x1] =	stream.indirect.gather [hbm4b:s3+s10], $0x1, s30, s10, $0xb8;
	[tilespmem:$0x6780] =	vst v63  }
0x5e: {  	s30 =	simm.s32 $0x2DE0;
	s31 =	simm.s32 $0x5060  }
0x5f: {  	[tilespmem:s31], [sflag:$0x1] =	stream.indirect.gather [hbm4b:s3+s10], $0x1, s30, s10, $0xb8;
	[tilespmem:$0x6780] =	vst v63  }
0x60: {  	s30 =	simm.s32 $0x2E50;
	s31 =	simm.s32 $0x50D0  }
0x61: {  	[tilespmem:s31], [sflag:$0x1] =	stream.indirect.gather [hbm4b:s3+s10], $0x1, s30, s10, $0xb8;
	[tilespmem:$0x6780] =	vst v63  }
0x62: {  	s30 =	simm.s32 $0x2EC0;
	s31 =	simm.s32 $0x5140  }
0x63: {  	[tilespmem:s31], [sflag:$0x1] =	stream.indirect.gather [hbm4b:s3+s10], $0x1, s30, s10, $0xb8;
	[tilespmem:$0x6780] =	vst v63  }
0x64: {  	s30 =	simm.s32 $0x2F30;
	s31 =	simm.s32 $0x51B0  }
0x65: {  	[tilespmem:s31], [sflag:$0x1] =	stream.indirect.gather [hbm4b:s3+s10], $0x1, s30, s10, $0xb8;
	[tilespmem:$0x6780] =	vst v63  }
0x66: {  	s30 =	simm.s32 $0x2FA0;
	s31 =	simm.s32 $0x5220  }
0x67: {  	[tilespmem:s31], [sflag:$0x1] =	stream.indirect.gather [hbm4b:s3+s10], $0x1, s30, s10, $0xb8;
	[tilespmem:$0x6780] =	vst v63  }
0x68: {  	s30 =	simm.s32 $0x3010;
	s31 =	simm.s32 $0x5290  }
0x69: {  	[tilespmem:s31], [sflag:$0x1] =	stream.indirect.gather [hbm4b:s3+s10], $0x1, s30, s10, $0xb8;
	[tilespmem:$0x6780] =	vst v63  }
0x6a: {  	s30 =	simm.s32 $0x3080;
	s31 =	simm.s32 $0x5300  }
0x6b: {  	[tilespmem:s31], [sflag:$0x1] =	stream.indirect.gather [hbm4b:s3+s10], $0x1, s30, s10, $0xb8;
	[tilespmem:$0x6780] =	vst v63  }
0x6c: {  	s30 =	simm.s32 $0x30F0;
	s31 =	simm.s32 $0x5370  }
0x6d: {  	[tilespmem:s31], [sflag:$0x1] =	stream.indirect.gather [hbm4b:s3+s10], $0x1, s30, s10, $0xb8;
	[tilespmem:$0x6780] =	vst v63  }
0x6e: {  	s30 =	simm.s32 $0x3160;
	s31 =	simm.s32 $0x53E0  }
0x6f: {  	[tilespmem:s31], [sflag:$0x1] =	stream.indirect.gather [hbm4b:s3+s10], $0x1, s30, s10, $0xb8;
	[tilespmem:$0x6780] =	vst v63  }
0x70: {  	s30 =	simm.s32 $0x31D0;
	s31 =	simm.s32 $0x5450  }
0x71: {  	[tilespmem:s31], [sflag:$0x1] =	stream.indirect.gather [hbm4b:s3+s10], $0x1, s30, s10, $0xb8;
	[tilespmem:$0x6780] =	vst v63  }
0x72: {  	s30 =	simm.s32 $0x3240;
	s31 =	simm.s32 $0x54C0  }
0x73: {  	[tilespmem:s31], [sflag:$0x1] =	stream.indirect.gather [hbm4b:s3+s10], $0x1, s30, s10, $0xb8;
	[tilespmem:$0x6780] =	vst v63  }
0x74: {  	s30 =	simm.s32 $0x32B0;
	s31 =	simm.s32 $0x5530  }
0x75: {  	[tilespmem:s31], [sflag:$0x1] =	stream.indirect.gather [hbm4b:s3+s10], $0x1, s30, s10, $0xb8;
	[tilespmem:$0x6780] =	vst v63  }
0x76: {  	s30 =	simm.s32 $0x3320;
	s31 =	simm.s32 $0x55A0  }
0x77: {  	[tilespmem:s31], [sflag:$0x1] =	stream.indirect.gather [hbm4b:s3+s10], $0x1, s30, s10, $0xb8;
	[tilespmem:$0x6780] =	vst v63  }
0x78: {  	s30 =	simm.s32 $0x3390;
	s31 =	simm.s32 $0x5610  }
0x79: {  	[tilespmem:s31], [sflag:$0x1] =	stream.indirect.gather [hbm4b:s3+s10], $0x1, s30, s10, $0xb8;
	[tilespmem:$0x6780] =	vst v63  }
0x7a: {  	s30 =	simm.s32 $0x3400;
	s31 =	simm.s32 $0x5680  }
0x7b: {  	[tilespmem:s31], [sflag:$0x1] =	stream.indirect.gather [hbm4b:s3+s10], $0x1, s30, s10, $0xb8;
	[tilespmem:$0x6780] =	vst v63  }
0x7c: {  	s30 =	simm.s32 $0x3470;
	s31 =	simm.s32 $0x56F0  }
0x7d: {  	[tilespmem:s31], [sflag:$0x1] =	stream.indirect.gather [hbm4b:s3+s10], $0x1, s30, s10, $0xb8;
	[tilespmem:$0x6780] =	vst v63  }
0x7e: {  	s30 =	simm.s32 $0x34E0;
	s31 =	simm.s32 $0x5760  }
0x7f: {  	[tilespmem:s31], [sflag:$0x1] =	stream.indirect.gather [hbm4b:s3+s10], $0x1, s30, s10, $0xb8;
	[tilespmem:$0x6780] =	vst v63  }
0x80: {  	s30 =	simm.s32 $0x3550;
	s31 =	simm.s32 $0x57D0  }
0x81: {  	[tilespmem:s31], [sflag:$0x1] =	stream.indirect.gather [hbm4b:s3+s10], $0x1, s30, s10, $0xb8;
	[tilespmem:$0x6780] =	vst v63  }
0x82: {  	s30 =	simm.s32 $0x35C0;
	s31 =	simm.s32 $0x5840  }
0x83: {  	[tilespmem:s31], [sflag:$0x1] =	stream.indirect.gather [hbm4b:s3+s10], $0x1, s30, s10, $0xb8;
	[tilespmem:$0x6780] =	vst v63  }
0x84: {  	s30 =	simm.s32 $0x3630;
	s31 =	simm.s32 $0x58B0  }
0x85: {  	[tilespmem:s31], [sflag:$0x1] =	stream.indirect.gather [hbm4b:s3+s10], $0x1, s30, s10, $0xb8;
	[tilespmem:$0x6780] =	vst v63  }
0x86: {  	s30 =	simm.s32 $0x36A0;
	s31 =	simm.s32 $0x5920  }
0x87: {  	[tilespmem:s31], [sflag:$0x1] =	stream.indirect.gather [hbm4b:s3+s10], $0x1, s30, s10, $0xb8;
	[tilespmem:$0x6780] =	vst v63  }
0x88: {  	s30 =	simm.s32 $0x3710;
	s31 =	simm.s32 $0x5990  }
0x89: {  	[tilespmem:s31], [sflag:$0x1] =	stream.indirect.gather [hbm4b:s3+s10], $0x1, s30, s10, $0xb8;
	[tilespmem:$0x6780] =	vst v63  }
0x8a: {  	s30 =	simm.s32 $0x3780;
	s31 =	simm.s32 $0x5A00  }
0x8b: {  	[tilespmem:s31], [sflag:$0x1] =	stream.indirect.gather [hbm4b:s3+s10], $0x1, s30, s10, $0xb8;
	[tilespmem:$0x6780] =	vst v63  }
0x8c: {  	s30 =	simm.s32 $0x37F0;
	s31 =	simm.s32 $0x5A70  }
0x8d: {  	[tilespmem:s31], [sflag:$0x1] =	stream.indirect.gather [hbm4b:s3+s10], $0x1, s30, s10, $0xb8;
	[tilespmem:$0x6780] =	vst v63  }
0x8e: {  	s30 =	simm.s32 $0x3860;
	s31 =	simm.s32 $0x5AE0  }
0x8f: {  	[tilespmem:s31], [sflag:$0x1] =	stream.indirect.gather [hbm4b:s3+s10], $0x1, s30, s10, $0xb8;
	[tilespmem:$0x6780] =	vst v63  }
0x90: {  	s30 =	simm.s32 $0x38D0;
	s31 =	simm.s32 $0x5B50  }
0x91: {  	[tilespmem:s31], [sflag:$0x1] =	stream.indirect.gather [hbm4b:s3+s10], $0x1, s30, s10, $0xb8;
	[tilespmem:$0x6780] =	vst v63  }
0x92: {  	s30 =	simm.s32 $0x3940;
	s31 =	simm.s32 $0x5BC0  }
0x93: {  	[tilespmem:s31], [sflag:$0x1] =	stream.indirect.gather [hbm4b:s3+s10], $0x1, s30, s10, $0xb8;
	[tilespmem:$0x6780] =	vst v63  }
0x94: {  	s30 =	simm.s32 $0x39B0;
	s31 =	simm.s32 $0x5C30  }
0x95: {  	[tilespmem:s31], [sflag:$0x1] =	stream.indirect.gather [hbm4b:s3+s10], $0x1, s30, s10, $0xb8;
	[tilespmem:$0x6780] =	vst v63  }
0x96: {  	s30 =	simm.s32 $0x3A20;
	s31 =	simm.s32 $0x5CA0  }
0x97: {  	[tilespmem:s31], [sflag:$0x1] =	stream.indirect.gather [hbm4b:s3+s10], $0x1, s30, s10, $0xb8;
	[tilespmem:$0x6780] =	vst v63  }
0x98: {  	s30 =	simm.s32 $0x3A90;
	s31 =	simm.s32 $0x5D10  }
0x99: {  	[tilespmem:s31], [sflag:$0x1] =	stream.indirect.gather [hbm4b:s3+s10], $0x1, s30, s10, $0xb8;
	[tilespmem:$0x6780] =	vst v63  }
0x9a: {  	s30 =	simm.s32 $0x3B00;
	s31 =	simm.s32 $0x5D80  }
0x9b: {  	[tilespmem:s31], [sflag:$0x1] =	stream.indirect.gather [hbm4b:s3+s10], $0x1, s30, s10, $0xb8;
	[tilespmem:$0x6780] =	vst v63  }
0x9c: {  	s30 =	simm.s32 $0x3B70;
	s31 =	simm.s32 $0x5DF0  }
0x9d: {  	[tilespmem:s31], [sflag:$0x1] =	stream.indirect.gather [hbm4b:s3+s10], $0x1, s30, s10, $0xb8;
	[tilespmem:$0x6780] =	vst v63  }
0x9e: {  	s30 =	simm.s32 $0x3BE0;
	s31 =	simm.s32 $0x5E60  }
0x9f: {  	[tilespmem:s31], [sflag:$0x1] =	stream.indirect.gather [hbm4b:s3+s10], $0x1, s30, s10, $0xb8;
	[tilespmem:$0x6780] =	vst v63  }
0xa0: {  	s30 =	simm.s32 $0x3C50;
	s31 =	simm.s32 $0x5ED0  }
0xa1: {  	[tilespmem:s31], [sflag:$0x1] =	stream.indirect.gather [hbm4b:s3+s10], $0x1, s30, s10, $0xb8;
	[tilespmem:$0x6780] =	vst v63  }
0xa2: {  	s30 =	simm.s32 $0x3CC0;
	s31 =	simm.s32 $0x5F40  }
0xa3: {  	[tilespmem:s31], [sflag:$0x1] =	stream.indirect.gather [hbm4b:s3+s10], $0x1, s30, s10, $0xb8;
	[tilespmem:$0x6780] =	vst v63  }
0xa4: {  	s30 =	simm.s32 $0x3D30;
	s31 =	simm.s32 $0x5FB0  }
0xa5: {  	[tilespmem:s31], [sflag:$0x1] =	stream.indirect.gather [hbm4b:s3+s10], $0x1, s30, s10, $0xb8;
	[tilespmem:$0x6780] =	vst v63  }
0xa6: {  	s30 =	simm.s32 $0x3DA0;
	s31 =	simm.s32 $0x6020  }
0xa7: {  	[tilespmem:s31], [sflag:$0x1] =	stream.indirect.gather [hbm4b:s3+s10], $0x1, s30, s10, $0xb8;
	[tilespmem:$0x6780] =	vst v63  }
0xa8: {  	s30 =	simm.s32 $0x3E10;
	s31 =	simm.s32 $0x6090  }
0xa9: {  	[tilespmem:s31], [sflag:$0x1] =	stream.indirect.gather [hbm4b:s3+s10], $0x1, s30, s10, $0xb8;
	[tilespmem:$0x6780] =	vst v63  }
0xaa: {  	s30 =	simm.s32 $0x3E80;
	s31 =	simm.s32 $0x6100  }
0xab: {  	[tilespmem:s31], [sflag:$0x1] =	stream.indirect.gather [hbm4b:s3+s10], $0x1, s30, s10, $0xb8;
	[tilespmem:$0x6780] =	vst v63  }
0xac: {  	s30 =	simm.s32 $0x3EF0;
	s31 =	simm.s32 $0x6170  }
0xad: {  	[tilespmem:s31], [sflag:$0x1] =	stream.indirect.gather [hbm4b:s3+s10], $0x1, s30, s10, $0xb8;
	[tilespmem:$0x6780] =	vst v63  }
0xae: {  	s30 =	simm.s32 $0x3F60;
	s31 =	simm.s32 $0x61E0  }
0xaf: {  	[tilespmem:s31], [sflag:$0x1] =	stream.indirect.gather [hbm4b:s3+s10], $0x1, s30, s10, $0xb8;
	[tilespmem:$0x6780] =	vst v63  }
0xb0: {  	s30 =	simm.s32 $0x3FD0;
	s31 =	simm.s32 $0x6250  }
0xb1: {  	[tilespmem:s31], [sflag:$0x1] =	stream.indirect.gather [hbm4b:s3+s10], $0x1, s30, s10, $0xb8;
	[tilespmem:$0x6780] =	vst v63  }
0xb2: {  	s30 =	simm.s32 $0x4040;
	s31 =	simm.s32 $0x62C0  }
0xb3: {  	[tilespmem:s31], [sflag:$0x1] =	stream.indirect.gather [hbm4b:s3+s10], $0x1, s30, s10, $0xb8;
	[tilespmem:$0x6780] =	vst v63  }
0xb4: {  	s30 =	simm.s32 $0x40B0;
	s31 =	simm.s32 $0x6330  }
0xb5: {  	[tilespmem:s31], [sflag:$0x1] =	stream.indirect.gather [hbm4b:s3+s10], $0x1, s30, s10, $0xb8;
	[tilespmem:$0x6780] =	vst v63  }
0xb6: {  	s30 =	simm.s32 $0x4120;
	s31 =	simm.s32 $0x63A0  }
0xb7: {  	[tilespmem:s31], [sflag:$0x1] =	stream.indirect.gather [hbm4b:s3+s10], $0x1, s30, s10, $0xb8;
	[tilespmem:$0x6780] =	vst v63  }
0xb8: {  	_ = 	snop  }
0xb9: {  	[tilespmem:s14], [sflag:$0x1] =	stream.indirect.gather [hbm4b:s3+s10], $0x1, s13, s10, $0xb8;
	[tilespmem:$0x6780] =	vst v63  }
0xba: {  	_ = 	snop  }
0xbb: {  	[tilespmem:s16], [sflag:$0x1] =	stream.indirect.gather [hbm4b:s3+s10], $0x1, s15, s10, $0xb8;
	[tilespmem:$0x6780] =	vst v63  }
0xbc: {  	_ = 	snop  }
0xbd: {  	[tilespmem:s18], [sflag:$0x1] =	stream.indirect.gather [hbm4b:s3+s10], $0x1, s17, s10, $0xb8;
	[tilespmem:$0x6780] =	vst v63  }
0xbe: {  	_ = 	snop  }
0xbf: {  	[tilespmem:s20], [sflag:$0x1] =	stream.indirect.gather [hbm4b:s3+s10], $0x1, s19, s10, $0xb8;
	[tilespmem:$0x6780] =	vst v63  }
0xc0: {  	_ = 	snop  }
0xc1: {  	[tilespmem:s22], [sflag:$0x1] =	stream.indirect.gather [hbm4b:s3+s10], $0x1, s21, s10, $0xb8;
	[tilespmem:$0x6780] =	vst v63  }
0xc2: {  	_ = 	snop  }
0xc3: {  	[tilespmem:s24], [sflag:$0x1] =	stream.indirect.gather [hbm4b:s3+s10], $0x1, s23, s10, $0xb8;
	[tilespmem:$0x6780] =	vst v63  }
0xc4: {  	_ = 	snop  }
0xc5: {  	[tilespmem:s26], [sflag:$0x1] =	stream.indirect.gather [hbm4b:s3+s10], $0x1, s25, s10, $0xb8;
	[tilespmem:$0x6780] =	vst v63  }
0xc6: {  	_ =	swait.ge [sflag:s28], $0x70  }
0xc7: {  	[sflag:s28] =	ssyncset.done $0x0  }
0xc8: {  	[sflag:s28] =	ssyncadd.s32 $0xFFFFFF90  }
0xc9: {  	_ =	swait.ge [sflag:s28], $0x70  }
0xca: {  	[sflag:s28] =	ssyncset.done $0x0  }
0xcb: {  	[sflag:s28] =	ssyncadd.s32 $0xFFFFFF90  }
0xcc: {  	_ =	swait.ge [sflag:s28], $0x70  }
0xcd: {  	[sflag:s28] =	ssyncset.done $0x0  }
0xce: {  	[sflag:s28] =	ssyncadd.s32 $0xFFFFFF90  }
0xcf: {  	_ =	swait.ge [sflag:s28], $0x70  }
0xd0: {  	[sflag:s28] =	ssyncset.done $0x0  }
0xd1: {  	[sflag:s28] =	ssyncadd.s32 $0xFFFFFF90  }
0xd2: {  	_ =	swait.ge [sflag:s28], $0x70  }
0xd3: {  	[sflag:s28] =	ssyncset.done $0x0  }
0xd4: {  	[sflag:s28] =	ssyncadd.s32 $0xFFFFFF90  }
0xd5: {  	_ =	swait.ge [sflag:s28], $0x70  }
0xd6: {  	[sflag:s28] =	ssyncset.done $0x0  }
0xd7: {  	[sflag:s28] =	ssyncadd.s32 $0xFFFFFF90  }
0xd8: {  	_ =	swait.ge [sflag:s28], $0x70  }
0xd9: {  	[sflag:s28] =	ssyncset.done $0x0  }
0xda: {  	[sflag:s28] =	ssyncadd.s32 $0xFFFFFF90  }
0xdb: {  	_ =	swait.ge [sflag:s28], $0x70  }
0xdc: {  	[sflag:s28] =	ssyncset.done $0x0  }
0xdd: {  	[sflag:s28] =	ssyncadd.s32 $0xFFFFFF90  }
0xde: {  	_ =	swait.ge [sflag:s28], $0x70  }
0xdf: {  	[sflag:s28] =	ssyncset.done $0x0  }
0xe0: {  	[sflag:s28] =	ssyncadd.s32 $0xFFFFFF90  }
0xe1: {  	_ =	swait.ge [sflag:s28], $0x70  }
0xe2: {  	[sflag:s28] =	ssyncset.done $0x0  }
0xe3: {  	[sflag:s28] =	ssyncadd.s32 $0xFFFFFF90  }
0xe4: {  	_ =	swait.ge [sflag:s28], $0x70  }
0xe5: {  	[sflag:s28] =	ssyncset.done $0x0  }
0xe6: {  	[sflag:s28] =	ssyncadd.s32 $0xFFFFFF90  }
0xe7: {  	_ =	swait.ge [sflag:s28], $0x70  }
0xe8: {  	[sflag:s28] =	ssyncset.done $0x0  }
0xe9: {  	[sflag:s28] =	ssyncadd.s32 $0xFFFFFF90  }
0xea: {  	_ =	swait.ge [sflag:s28], $0x70  }
0xeb: {  	[sflag:s28] =	ssyncset.done $0x0  }
0xec: {  	[sflag:s28] =	ssyncadd.s32 $0xFFFFFF90  }
0xed: {  	_ =	swait.ge [sflag:s28], $0x70  }
0xee: {  	[sflag:s28] =	ssyncset.done $0x0  }
0xef: {  	[sflag:s28] =	ssyncadd.s32 $0xFFFFFF90  }
0xf0: {  	_ =	swait.ge [sflag:s28], $0x70  }
0xf1: {  	[sflag:s28] =	ssyncset.done $0x0  }
0xf2: {  	[sflag:s28] =	ssyncadd.s32 $0xFFFFFF90  }
0xf3: {  	_ =	swait.ge [sflag:s28], $0x70  }
0xf4: {  	[sflag:s28] =	ssyncset.done $0x0  }
0xf5: {  	[sflag:s28] =	ssyncadd.s32 $0xFFFFFF90  }
0xf6: {  	_ =	swait.ge [sflag:s28], $0x70  }
0xf7: {  	[sflag:s28] =	ssyncset.done $0x0  }
0xf8: {  	[sflag:s28] =	ssyncadd.s32 $0xFFFFFF90  }
0xf9: {  	_ =	swait.ge [sflag:s28], $0x70  }
0xfa: {  	[sflag:s28] =	ssyncset.done $0x0  }
0xfb: {  	[sflag:s28] =	ssyncadd.s32 $0xFFFFFF90  }
0xfc: {  	_ =	swait.ge [sflag:s28], $0x70  }
0xfd: {  	[sflag:s28] =	ssyncset.done $0x0  }
0xfe: {  	[sflag:s28] =	ssyncadd.s32 $0xFFFFFF90  }
0xff: {  	_ =	swait.ge [sflag:s28], $0x70  }
0x100: {  	[sflag:s28] =	ssyncset.done $0x0  }
0x101: {  	[sflag:s28] =	ssyncadd.s32 $0xFFFFFF90  }
0x102: {  	_ =	swait.ge [sflag:s28], $0x70  }
0x103: {  	[sflag:s28] =	ssyncset.done $0x0  }
0x104: {  	[sflag:s28] =	ssyncadd.s32 $0xFFFFFF90  }
0x105: {  	_ =	swait.ge [sflag:s28], $0x70  }
0x106: {  	[sflag:s28] =	ssyncset.done $0x0  }
0x107: {  	[sflag:s28] =	ssyncadd.s32 $0xFFFFFF90  }
0x108: {  	_ =	swait.ge [sflag:s28], $0x70  }
0x109: {  	[sflag:s28] =	ssyncset.done $0x0  }
0x10a: {  	[sflag:s28] =	ssyncadd.s32 $0xFFFFFF90  }
0x10b: {  	_ =	swait.ge [sflag:s28], $0x70  }
0x10c: {  	[sflag:s28] =	ssyncset.done $0x0  }
0x10d: {  	[sflag:s28] =	ssyncadd.s32 $0xFFFFFF90  }
0x10e: {  	_ =	swait.ge [sflag:s28], $0x70  }
0x10f: {  	[sflag:s28] =	ssyncset.done $0x0  }
0x110: {  	[sflag:s28] =	ssyncadd.s32 $0xFFFFFF90  }
0x111: {  	_ =	swait.ge [sflag:s28], $0x70  }
0x112: {  	[sflag:s28] =	ssyncset.done $0x0  }
0x113: {  	[sflag:s28] =	ssyncadd.s32 $0xFFFFFF90  }
0x114: {  	_ =	swait.ge [sflag:s28], $0x70  }
0x115: {  	[sflag:s28] =	ssyncset.done $0x0  }
0x116: {  	[sflag:s28] =	ssyncadd.s32 $0xFFFFFF90  }
0x117: {  	_ =	swait.ge [sflag:s28], $0x70  }
0x118: {  	[sflag:s28] =	ssyncset.done $0x0  }
0x119: {  	[sflag:s28] =	ssyncadd.s32 $0xFFFFFF90  }
0x11a: {  	_ =	swait.ge [sflag:s28], $0x70  }
0x11b: {  	[sflag:s28] =	ssyncset.done $0x0  }
0x11c: {  	[sflag:s28] =	ssyncadd.s32 $0xFFFFFF90  }
0x11d: {  	_ =	swait.ge [sflag:s28], $0x70  }
0x11e: {  	[sflag:s28] =	ssyncset.done $0x0  }
0x11f: {  	[sflag:s28] =	ssyncadd.s32 $0xFFFFFF90  }
0x120: {  	_ =	swait.ge [sflag:s28], $0x70  }
0x121: {  	[sflag:s28] =	ssyncset.done $0x0  }
0x122: {  	[sflag:s28] =	ssyncadd.s32 $0xFFFFFF90  }
0x123: {  	_ =	swait.ge [sflag:s28], $0x70  }
0x124: {  	[sflag:s28] =	ssyncset.done $0x0  }
0x125: {  	[sflag:s28] =	ssyncadd.s32 $0xFFFFFF90  }
0x126: {  	_ =	swait.ge [sflag:s28], $0x70  }
0x127: {  	[sflag:s28] =	ssyncset.done $0x0  }
0x128: {  	[sflag:s28] =	ssyncadd.s32 $0xFFFFFF90  }
0x129: {  	_ =	swait.ge [sflag:s28], $0x70  }
0x12a: {  	[sflag:s28] =	ssyncset.done $0x0  }
0x12b: {  	[sflag:s28] =	ssyncadd.s32 $0xFFFFFF90  }
0x12c: {  	_ =	swait.ge [sflag:s28], $0x70  }
0x12d: {  	[sflag:s28] =	ssyncset.done $0x0  }
0x12e: {  	[sflag:s28] =	ssyncadd.s32 $0xFFFFFF90  }
0x12f: {  	_ =	swait.ge [sflag:s28], $0x70  }
0x130: {  	[sflag:s28] =	ssyncset.done $0x0  }
0x131: {  	[sflag:s28] =	ssyncadd.s32 $0xFFFFFF90  }
0x132: {  	_ =	swait.ge [sflag:s28], $0x70  }
0x133: {  	[sflag:s28] =	ssyncset.done $0x0  }
0x134: {  	[sflag:s28] =	ssyncadd.s32 $0xFFFFFF90  }
0x135: {  	_ =	swait.ge [sflag:s28], $0x70  }
0x136: {  	[sflag:s28] =	ssyncset.done $0x0  }
0x137: {  	[sflag:s28] =	ssyncadd.s32 $0xFFFFFF90  }
0x138: {  	_ =	swait.ge [sflag:s28], $0x70  }
0x139: {  	[sflag:s28] =	ssyncset.done $0x0  }
0x13a: {  	[sflag:s28] =	ssyncadd.s32 $0xFFFFFF90  }
0x13b: {  	_ =	swait.ge [sflag:s28], $0x70  }
0x13c: {  	[sflag:s28] =	ssyncset.done $0x0  }
0x13d: {  	[sflag:s28] =	ssyncadd.s32 $0xFFFFFF90  }
0x13e: {  	_ =	swait.ge [sflag:s28], $0x70  }
0x13f: {  	[sflag:s28] =	ssyncset.done $0x0  }
0x140: {  	[sflag:s28] =	ssyncadd.s32 $0xFFFFFF90  }
0x141: {  	_ =	swait.ge [sflag:s28], $0x70  }
0x142: {  	[sflag:s28] =	ssyncset.done $0x0  }
0x143: {  	[sflag:s28] =	ssyncadd.s32 $0xFFFFFF90  }
0x144: {  	_ =	swait.ge [sflag:s28], $0x70  }
0x145: {  	[sflag:s28] =	ssyncset.done $0x0  }
0x146: {  	[sflag:s28] =	ssyncadd.s32 $0xFFFFFF90  }
0x147: {  	_ =	swait.ge [sflag:s28], $0x70  }
0x148: {  	[sflag:s28] =	ssyncset.done $0x0  }
0x149: {  	[sflag:s28] =	ssyncadd.s32 $0xFFFFFF90  }
0x14a: {  	_ =	swait.ge [sflag:s28], $0x70  }
0x14b: {  	[sflag:s28] =	ssyncset.done $0x0  }
0x14c: {  	[sflag:s28] =	ssyncadd.s32 $0xFFFFFF90  }
0x14d: {  	_ =	swait.ge [sflag:s28], $0x70  }
0x14e: {  	[sflag:s28] =	ssyncset.done $0x0  }
0x14f: {  	[sflag:s28] =	ssyncadd.s32 $0xFFFFFF90  }
0x150: {  	_ =	swait.ge [sflag:s28], $0x70  }
0x151: {  	[sflag:s28] =	ssyncset.done $0x0  }
0x152: {  	[sflag:s28] =	ssyncadd.s32 $0xFFFFFF90  }
0x153: {  	_ =	swait.ge [sflag:s28], $0x70  }
0x154: {  	[sflag:s28] =	ssyncset.done $0x0  }
0x155: {  	[sflag:s28] =	ssyncadd.s32 $0xFFFFFF90  }
0x156: {  	_ =	swait.ge [sflag:s28], $0x70  }
0x157: {  	[sflag:s28] =	ssyncset.done $0x0  }
0x158: {  	[sflag:s28] =	ssyncadd.s32 $0xFFFFFF90  }
0x159: {  	_ =	swait.ge [sflag:s28], $0x70  }
0x15a: {  	[sflag:s28] =	ssyncset.done $0x0  }
0x15b: {  	[sflag:s28] =	ssyncadd.s32 $0xFFFFFF90  }
0x15c: {  	_ =	swait.ge [sflag:s28], $0x70  }
0x15d: {  	[sflag:s28] =	ssyncset.done $0x0  }
0x15e: {  	[sflag:s28] =	ssyncadd.s32 $0xFFFFFF90  }
0x15f: {  	_ =	swait.ge [sflag:s28], $0x70  }
0x160: {  	[sflag:s28] =	ssyncset.done $0x0  }
0x161: {  	[sflag:s28] =	ssyncadd.s32 $0xFFFFFF90  }
0x162: {  	_ =	swait.ge [sflag:s28], $0x70  }
0x163: {  	[sflag:s28] =	ssyncset.done $0x0  }
0x164: {  	[sflag:s28] =	ssyncadd.s32 $0xFFFFFF90  }
0x165: {  	_ =	swait.ge [sflag:s28], $0x70  }
0x166: {  	[sflag:s28] =	ssyncset.done $0x0  }
0x167: {  	[sflag:s28] =	ssyncadd.s32 $0xFFFFFF90  }
0x168: {  	_ =	swait.ge [sflag:s28], $0x70  }
0x169: {  	[sflag:s28] =	ssyncset.done $0x0  }
0x16a: {  	[sflag:s28] =	ssyncadd.s32 $0xFFFFFF90  }
0x16b: {  	_ =	swait.ge [sflag:s28], $0x70  }
0x16c: {  	[sflag:s28] =	ssyncset.done $0x0  }
0x16d: {  	[sflag:s28] =	ssyncadd.s32 $0xFFFFFF90  }
0x16e: {  	_ =	swait.ge [sflag:s28], $0x70  }
0x16f: {  	[sflag:s28] =	ssyncset.done $0x0  }
0x170: {  	[sflag:s28] =	ssyncadd.s32 $0xFFFFFF90  }
0x171: {  	_ =	swait.ge [sflag:s28], $0x70  }
0x172: {  	[sflag:s28] =	ssyncset.done $0x0  }
0x173: {  	[sflag:s28] =	ssyncadd.s32 $0xFFFFFF90  }
0x174: {  	_ =	swait.ge [sflag:s28], $0x70  }
0x175: {  	[sflag:s28] =	ssyncset.done $0x0  }
0x176: {  	[sflag:s28] =	ssyncadd.s32 $0xFFFFFF90  }
0x177: {  	_ =	swait.ge [sflag:s28], $0x70  }
0x178: {  	[sflag:s28] =	ssyncset.done $0x0  }
0x179: {  	[sflag:s28] =	ssyncadd.s32 $0xFFFFFF90  }
0x17a: {  	_ =	swait.ge [sflag:s28], $0x70  }
0x17b: {  	[sflag:s28] =	ssyncset.done $0x0  }
0x17c: {  	[sflag:s28] =	ssyncadd.s32 $0xFFFFFF90  }
0x17d: {  	_ =	swait.ge [sflag:s28], $0x70  }
0x17e: {  	[sflag:s28] =	ssyncset.done $0x0  }
0x17f: {  	[sflag:s28] =	ssyncadd.s32 $0xFFFFFF90  }
0x180: {  	_ =	swait.ge [sflag:s28], $0x70  }
0x181: {  	[sflag:s28] =	ssyncset.done $0x0  }
0x182: {  	[sflag:s28] =	ssyncadd.s32 $0xFFFFFF90  }
0x183: {  	_ =	swait.ge [sflag:s28], $0x70  }
0x184: {  	[sflag:s28] =	ssyncset.done $0x0  }
0x185: {  	[sflag:s28] =	ssyncadd.s32 $0xFFFFFF90  }
0x186: {  	_ =	swait.ge [sflag:s28], $0x70  }
0x187: {  	[sflag:s28] =	ssyncset.done $0x0  }
0x188: {  	[sflag:s28] =	ssyncadd.s32 $0xFFFFFF90  }
0x189: {  	_ =	swait.ge [sflag:s28], $0x70  }
0x18a: {  	[sflag:s28] =	ssyncset.done $0x0  }
0x18b: {  	[sflag:s28] =	ssyncadd.s32 $0xFFFFFF90  }
0x18c: {  	_ =	swait.ge [sflag:s28], $0x70  }
0x18d: {  	[sflag:s28] =	ssyncset.done $0x0  }
0x18e: {  	[sflag:s28] =	ssyncadd.s32 $0xFFFFFF90  }
0x18f: {  	_ =	swait.ge [sflag:s28], $0x70  }
0x190: {  	[sflag:s28] =	ssyncset.done $0x0  }
0x191: {  	[sflag:s28] =	ssyncadd.s32 $0xFFFFFF90  }
0x192: {  	_ =	swait.ge [sflag:s28], $0x70  }
0x193: {  	[sflag:s28] =	ssyncset.done $0x0  }
0x194: {  	[sflag:s28] =	ssyncadd.s32 $0xFFFFFF90  }
0x195: {  	_ =	swait.ge [sflag:s28], $0x70  }
0x196: {  	[sflag:s28] =	ssyncset.done $0x0  }
0x197: {  	[sflag:s28] =	ssyncadd.s32 $0xFFFFFF90  }
0x198: {  	_ =	swait.ge [sflag:s28], $0x70  }
0x199: {  	[sflag:s28] =	ssyncset.done $0x0  }
0x19a: {  	[sflag:s28] =	ssyncadd.s32 $0xFFFFFF90  }
0x19b: {  	_ =	swait.ge [sflag:s28], $0x70  }
0x19c: {  	[sflag:s28] =	ssyncset.done $0x0  }
0x19d: {  	[sflag:s28] =	ssyncadd.s32 $0xFFFFFF90  }
0x19e: {  	_ =	swait.ge [sflag:s28], $0x70  }
0x19f: {  	[sflag:s28] =	ssyncset.done $0x0  }
0x1a0: {  	[sflag:s28] =	ssyncadd.s32 $0xFFFFFF90  }
0x1a1: {  	_ =	swait.ge [sflag:s28], $0x70  }
0x1a2: {  	[sflag:s28] =	ssyncset.done $0x0  }
0x1a3: {  	[sflag:s28] =	ssyncadd.s32 $0xFFFFFF90  }
0x1a4: {  	_ =	swait.ge [sflag:s28], $0x70  }
0x1a5: {  	[sflag:s28] =	ssyncset.done $0x0  }
0x1a6: {  	[sflag:s28] =	ssyncadd.s32 $0xFFFFFF90  }
0x1a7: {  	_ =	swait.ge [sflag:s28], $0x70  }
0x1a8: {  	[sflag:s28] =	ssyncset.done $0x0  }
0x1a9: {  	[sflag:s28] =	ssyncadd.s32 $0xFFFFFF90  }
0x1aa: {  	_ =	swait.ge [sflag:s28], $0x70  }
0x1ab: {  	[sflag:s28] =	ssyncset.done $0x0  }
0x1ac: {  	[sflag:s28] =	ssyncadd.s32 $0xFFFFFF90  }
0x1ad: {  	s29 =	sadd.s32 $0x1, s29;
	_ =	swait.ge [sflag:s28], $0x70  }
0x1ae: {  	p0 =	sne.s32 s29, s6;
	[sflag:s28] =	ssyncset.done $0x0  }
.Ltmp1:
0x1af: {  	[sflag:s28] =	ssyncadd.s32 $0xFFFFFF90;
	(pc) =	sbr.rel @p0 .LBB2_1-.Ltmp1, $4  }
0x1b0: {  	[hbm4b:s5+s7] =	stream.strided.scatter [tilespmem:s12], [sflag:$0x2], $0x2280, s8, s7, $0x38;
	[tilespmem:$0x6780] =	vst v63  }
0x1b1: {  	_ =	swait.ge [sflag:s9], $0x2280  }
0x1b2: {  	[sflag:s9] =	ssyncset.done $0x0  }
0x1b3: {  	[sflag:s9] =	ssyncadd.s32 $0xFFFFDD80  }
0x1b4: {  	_ =	sfence.sel $0x180000  }
0x1b5: {  	[bflag:$0x0] =	sbarrier.arrive $0xFFFF  }
0x1b6: {  	_ =	strace $0x90000047  }
0x1b7: {  	s0 =	stileid.u32;
	[bflag:$0x2] =	sbarrier.arrive $0xFFFF  }
0x1b8: {  	p0 =	sne.s32 s0, $0x0;
	s0 =	rddreg [dreg:$0x1]  }
0x1b9: {  	s0 =	sadd.s32 @!p0 $0x100000, s0  }
0x1ba: {  	[sflag:s0] =	ssyncadd.tile.s32 @!p0 $0x1;
	_ =	shalt  }
.Lfunc_end2:
_tile_overlayer_lowered:
.L_overlay_start_2:
0x1bb: {  	(tag) =	ssettag $0x2  }
0x1bc: {  	s0 =	rddreg [dreg:$0x0];
	s2 =	stileid.u32  }
0x1bd: {  	s1 =	rddreg [dreg:$0x1];
	p0 =	sne.s32 s2, $0x0  }
0x1be: {  	s3 =	rddreg [dreg:$0x2];
	[bflag:$0x3] =	sbarrier.arrive $0xFFFF;
	s2 =	simm.s32 @!p0 $0x1C02  }
0x1bf: {  	[timem:s3], [sflag:s2] =	dma.local @!p0 [hbm:s0], s1  }
0x1c0: {  	s0 =	simm.s32 @!p0 $0x2  }
0x1c1: {  	_ =	swait.ge @!p0 [sflag:s0], s1  }
0x1c2: {  	s1 =	ssub.s32 @!p0 $0x0, s1;
	[sflag:s0] =	ssyncset.done @!p0 $0x0  }
0x1c3: {  	[sflag:s0] =	ssyncadd.s32 @!p0 s1  }
0x1c4: {  	[bflag:$0x3] =	sbarrier.arrive $0xFFFF  }
0x1c5: {  	_ =	shalt  }

</sc_bundles>
